<compile_context>
chip_gen: v7x
topology: tpu7x:2x2x1
jax: 0.10.2.dev20260603
libtpu: 0.0.44.dev20260713+nightly
codegen_flags: <defaults>
</compile_context>

<pallas_src>
import functools

import jax
import jax.numpy as jnp
import numpy as np
from jax import lax
from jax.experimental import pallas as pl
from jax.experimental.pallas import tpu as pltpu
from jax.experimental.pallas import tpu_sc as plsc

_BATCH = 4
_RADIUS = 240
_ANGLE = 180
_HEIGHT = 32
_RKEEP = 120
_NPTS = 480000
_CUT = 8

_NSUB = 32
_NT = _NPTS // 128
_BIG = 118 * 128
_SMALL = 117 * 128

_PERMS = np.array([
    [1, 3, 0, 2], [2, 0, 3, 1], [0, 1, 2, 3], [3, 2, 0, 1],
    [1, 3, 2, 0], [3, 1, 2, 0], [1, 0, 3, 2], [0, 2, 1, 3],
], dtype=np.int32)



def _area_of(a):
    return ((2 * a + 1) * 2913) >> 17


def _packed_inv():
    pk = [0] * _CUT
    for ar in range(_CUT):
        for b in range(_BATCH):
            pk[ar] |= b << (2 * int(_PERMS[ar, b]))
    return pk


_PKINV = _packed_inv()


def _src_map():
    m = np.zeros((_BATCH, _ANGLE), np.int32)
    for b in range(_BATCH):
        for a in range(_ANGLE):
            m[b, a] = _PERMS[_area_of(a), b]
    return m



def _sc_relabel(coords_t):
    mesh = plsc.VectorSubcoreMesh(
        core_axis_name="c", subcore_axis_name="s", num_cores=2, num_subcores=16)

    @functools.partial(
        pl.kernel,
        out_type=jax.ShapeDtypeStruct((3, _NPTS), jnp.int32),
        mesh=mesh,
        compiler_params=pltpu.CompilerParams(
            needs_layout_passes=False, use_tc_tiling_on_sc=True),
        scratch_types=(pltpu.VMEM((3, _BIG), jnp.int32),),
    )
    def body(coords_hbm, out_coords, buf):
        wid = lax.axis_index("s") * 2 + lax.axis_index("c")
        base = wid * _SMALL + jnp.minimum(wid, 6) * 128

        def go(npts):
            pltpu.sync_copy(coords_hbm.at[:, pl.ds(base, npts)],
                            buf.at[:, pl.ds(0, npts)])

            @pl.loop(0, npts // 16, unroll=4)
            def _(g):
                idx = g * 16
                c0 = buf[0, pl.ds(idx, 16)]
                c1 = buf[1, pl.ds(idx, 16)]
                c2 = buf[2, pl.ds(idx, 16)]
                area = ((c2 * 2 + 1) * 2913) >> 17
                pk = jnp.full((16,), _PKINV[7], jnp.int32)
                for ar in range(6, -1, -1):
                    pk = jnp.where(area == ar, _PKINV[ar], pk)
                new0 = (pk >> (c0 * 2)) & 3
                buf[0, pl.ds(idx, 16)] = jnp.where(c1 >= _RKEEP, new0, c0)

            pltpu.sync_copy(buf.at[:, pl.ds(0, npts)],
                            out_coords.at[:, pl.ds(base, npts)])

        @pl.when(wid < 6)
        def _():
            go(_BIG)

        @pl.when(wid >= 6)
        def _():
            go(_SMALL)

    return body(coords_t)



def _tc_feature_copy(ft):
    def body(in_ref, out_ref):
        out_ref[...] = in_ref[...]

    return pl.pallas_call(
        body,
        grid=(30,),
        in_specs=[pl.BlockSpec((9, 16000), lambda i: (0, i))],
        out_specs=pl.BlockSpec((9, 16000), lambda i: (0, i)),
        out_shape=jax.ShapeDtypeStruct((9, _NPTS), jnp.float32),
    )(ft)



def _tc_voxel_mix(vlt, smap):
    def body(smap_ref, own_ref, perm_ref, out_ref):
        del smap_ref
        r_idx = lax.broadcasted_iota(jnp.int32, (1, 1, _HEIGHT, _RADIUS), 3)
        out_ref[...] = jnp.where(r_idx >= _RKEEP, perm_ref[...], own_ref[...])

    grid_spec = pltpu.PrefetchScalarGridSpec(
        num_scalar_prefetch=1,
        grid=(_BATCH, _ANGLE),
        in_specs=[
            pl.BlockSpec((1, 1, _HEIGHT, _RADIUS), lambda b, a, smap: (b, a, 0, 0)),
            pl.BlockSpec((1, 1, _HEIGHT, _RADIUS),
                         lambda b, a, smap: (smap[b, a], a, 0, 0)),
        ],
        out_specs=pl.BlockSpec((1, 1, _HEIGHT, _RADIUS),
                               lambda b, a, smap: (b, a, 0, 0)),
    )
    return pl.pallas_call(
        body,
        grid_spec=grid_spec,
        out_shape=jax.ShapeDtypeStruct((_BATCH, _ANGLE, _HEIGHT, _RADIUS),
                                       jnp.int32),
    )(smap, vlt, vlt)


@jax.jit
def _impl(point_feature_, point_coord_, voxel_label_):
    smap = jnp.asarray(_src_map(), dtype=jnp.int32)
    out_ct = _sc_relabel(jnp.transpose(point_coord_))
    out_c = jnp.transpose(out_ct)
    vlt = jnp.transpose(voxel_label_, (0, 2, 3, 1))
    out_t = _tc_voxel_mix(vlt, smap)
    out_v = jnp.transpose(out_t, (0, 3, 1, 2))
    out_f = jnp.transpose(_tc_feature_copy(jnp.transpose(point_feature_)))
    return (out_f, out_c, out_v)


def kernel(point_feature_, point_coord_, voxel_label_):
    return _impl(point_feature_, point_coord_, voxel_label_)

# --- scband reference (transcript-rebuilt; emitter-appended) ---
"""Pipeline reference for scband-voxel-mix-13486197310125 (READ-ONLY COPY).

The authoritative reference and input builder live on the scoring server;
editing this copy changes nothing except your own understanding.
"""

import jax, jax.numpy as jnp
import numpy as np

BATCH = 4
RADIUS = 240
ANGLE = 180
HEIGHT = 32
RADIUS_KEEP = 120
N_POINTS = 480000
FEAT = 9
CUT_NUM = 8


def setup_inputs(seed: int = 0) -> dict:
    key = jax.random.key(seed)
    k1, k2, k3, k4, k5 = jax.random.split(key, 5)
    point_feature_ = jax.random.normal(k1, (N_POINTS, FEAT), dtype=jnp.float32)
    # columns: [batch_idx, radius_bin, angle_bin] with per-column ranges
    c0 = jax.random.randint(k2, (N_POINTS,), 0, BATCH)
    c1 = jax.random.randint(k3, (N_POINTS,), 0, RADIUS)
    c2 = jax.random.randint(k4, (N_POINTS,), 0, ANGLE)
    point_coord_ = jnp.stack([c0, c1, c2], axis=1)
    voxel_label_ = jax.random.randint(k5, (BATCH, RADIUS, ANGLE, HEIGHT), 0, 20)
    return {"point_feature_": point_feature_, "point_coord_": point_coord_, "voxel_label_": voxel_label_}


def reference(point_feature_, point_coord_, voxel_label_):
    pc_lookup = point_coord_
    vl_lookup = voxel_label_
    cake_slice = 360 // CUT_NUM
    # torch.randperm per slice -> fixed-key jax permutations (internal randomness)
    pkey = jax.random.key(42)
    perms = jnp.stack([jax.random.permutation(jax.random.fold_in(pkey, i), BATCH) for i in range(CUT_NUM)])
    coord0 = point_coord_[:, 0]
    vl = voxel_label_
    for area_idx in range(CUT_NUM):
        st_degree = (area_idx * cake_slice) // 2
        ed_degree = (area_idx * cake_slice + cake_slice) // 2
        for batch_idx in range(BATCH):
            perm_idx = perms[area_idx, batch_idx]
            cond = (pc_lookup[:, 0] == perm_idx) \
                 & (pc_lookup[:, 2] >= st_degree) \
                 & (pc_lookup[:, 2] < ed_degree) \
                 & (pc_lookup[:, 1] >= RADIUS_KEEP)
            coord0 = jnp.where(cond, batch_idx, coord0)
            src = jnp.take(vl_lookup, perm_idx, axis=0)[RADIUS_KEEP:, st_degree:ed_degree, :]
            vl = vl.at[batch_idx, RADIUS_KEEP:, st_degree:ed_degree, :].set(src)
    point_coord_out = point_coord_.at[:, 0].set(coord0)
    return (point_feature_, point_coord_out, vl)

if __name__ == "__main__":
    import jax
    _d = setup_inputs()
    print(jax.jit(kernel)(*tuple(_d.values())))

</pallas_src>

<mosaic_0001>
#map = affine_map<(d0, d1) -> (0, 0)>
module attributes {stable_mosaic.version = 14 : i64} {
  func.func @body(%arg0: i32, %arg1: i32, %arg2: memref<3x480000xi32, #tpu.memory_space<hbm>>, %arg3: memref<3x480000xi32, #tpu.memory_space<hbm>>, %arg4: memref<3x15104xi32, #tpu.memory_space<vmem>>) attributes {dimension_semantics = [#tpu.dimension_semantics<core_parallel>, #tpu.dimension_semantics<subcore_parallel>], iteration_bounds = array<i64: 2, 16>, scalar_prefetch = 0 : i64, scratch_operands = 1 : i64, tpu.core_type = #tpu.core_type<sc_vector_subcore>, window_params = [{transform_indices = #map}, {transform_indices = #map}]} {
    %mul3A = arith.constant 2 : i32
    %mul3A_0 = arith.muli %arg1, %mul3A : i32
    %add3A = arith.addi %mul3A_0, %arg0 : i32
    %mul3A_1 = arith.constant 14976 : i32
    %mul3A_2 = arith.muli %add3A, %mul3A_1 : i32
    %min3A = arith.constant 6 : i32
    %min3A_3 = arith.minsi %add3A, %min3A : i32
    %mul3A_4 = arith.constant 128 : i32
    %mul3A_5 = arith.muli %min3A_3, %mul3A_4 : i32
    %add3A_6 = arith.addi %mul3A_2, %mul3A_5 : i32
    %lt3A = arith.constant 6 : i32
    %lt3A_7 = arith.cmpi slt, %add3A, %lt3A : i32
    %convert_element_type3A = arith.extui %lt3A_7 : i1 to i32
    %cond3A = arith.constant 0 : i32
    %cond3A_8 = arith.cmpi ne, %convert_element_type3A, %cond3A : i32
    scf.if %cond3A_8 {
      "tpu.region"() ({
        %run_scoped3A = tpu.sem_alloc : memref<!tpu.dma_semaphore, #tpu.memory_space<semaphore_mem>>
        %dma_start3A = arith.constant 0 : i32
        %dma_start3A_17 = arith.constant 0 : i32
        %dma_start3A_18 = tpu.memref_slice %arg4[%dma_start3A, %dma_start3A_17] : memref<3x15104xi32, #tpu.memory_space<vmem>> -> memref<3x15104xi32, #tpu.memory_space<vmem>>
        %dma_start3A_19 = arith.constant 0 : i32
        %dma_start3A_20 = tpu.memref_slice %arg2[%dma_start3A_19, %add3A_6] : memref<3x480000xi32, #tpu.memory_space<hbm>> -> memref<3x15104xi32, #tpu.memory_space<hbm>>
        %dma_start3A_21 = arith.constant 0 : i32
        %dma_start3A_22 = arith.constant 0 : i32
        %dma_start3A_23 = tpu.memref_slice %arg4[%dma_start3A_21, %dma_start3A_22] : memref<3x15104xi32, #tpu.memory_space<vmem>> -> memref<3x15104xi32, #tpu.memory_space<vmem>>
        %dma_start3A_24 = arith.constant 0 : i32
        %dma_start3A_25 = tpu.memref_slice %arg2[%dma_start3A_24, %add3A_6] : memref<3x480000xi32, #tpu.memory_space<hbm>> -> memref<3x15104xi32, #tpu.memory_space<hbm>>
        tpu.enqueue_dma source(%dma_start3A_25 : memref<3x15104xi32, #tpu.memory_space<hbm>>) target(%dma_start3A_23 : memref<3x15104xi32, #tpu.memory_space<vmem>>) target_semaphore(%run_scoped3A : memref<!tpu.dma_semaphore, #tpu.memory_space<semaphore_mem>>)
        %dma_wait3A = arith.constant 0 : i32
        %dma_wait3A_26 = arith.constant 0 : i32
        %dma_wait3A_27 = tpu.memref_slice %arg4[%dma_wait3A, %dma_wait3A_26] : memref<3x15104xi32, #tpu.memory_space<vmem>> -> memref<3x15104xi32, #tpu.memory_space<vmem>>
        %dma_wait3A_28 = arith.constant 0 : i32
        %dma_wait3A_29 = tpu.memref_slice %arg2[%dma_wait3A_28, %add3A_6] : memref<3x480000xi32, #tpu.memory_space<hbm>> -> memref<3x15104xi32, #tpu.memory_space<hbm>>
        %dma_wait3A_30 = arith.constant 0 : i32
        %dma_wait3A_31 = arith.constant 0 : i32
        %dma_wait3A_32 = tpu.memref_slice %arg4[%dma_wait3A_30, %dma_wait3A_31] : memref<3x15104xi32, #tpu.memory_space<vmem>> -> memref<3x15104xi32, #tpu.memory_space<vmem>>
        %dma_wait3A_33 = arith.constant 0 : i32
        %dma_wait3A_34 = tpu.memref_slice %arg2[%dma_wait3A_33, %add3A_6] : memref<3x480000xi32, #tpu.memory_space<hbm>> -> memref<3x15104xi32, #tpu.memory_space<hbm>>
        tpu.wait_dma2 semaphore(%run_scoped3A : memref<!tpu.dma_semaphore, #tpu.memory_space<semaphore_mem>>) src(%dma_wait3A_34 : memref<3x15104xi32, #tpu.memory_space<hbm>>) dst(%dma_wait3A_32 : memref<3x15104xi32, #tpu.memory_space<vmem>>)
        tpu.yield
      }) : () -> ()
      %scan3A = arith.constant 0 : i32
      %scan3A_13 = arith.constant 944 : i32
      %scan3A_14 = arith.addi %scan3A, %scan3A_13 : i32
      %scan3A_15 = arith.constant 4 : i32
      scf.for %scan3A_17 = %scan3A to %scan3A_14 step %scan3A_15  : i32 {
        %mul3A_18 = arith.constant 1 : i32
        %mul3A_19 = arith.muli %scan3A_17, %mul3A_18 : i32
        %add3A_20 = arith.constant 0 : i32
        %add3A_21 = arith.addi %add3A_20, %mul3A_19 : i32
        %mul3A_22 = arith.constant 16 : i32
        %mul3A_23 = arith.muli %add3A_21, %mul3A_22 : i32
        %get3A = arith.constant 0 : i32
        %get3A_24 = arith.index_cast %get3A : i32 to index
        %get3A_25 = arith.index_cast %mul3A_23 : i32 to index
        %get3A_26 = tpu.vector_load %arg4[%get3A_24, %get3A_25] {strides = array<i32>} : memref<3x15104xi32, #tpu.memory_space<vmem>>, vector<16xi32>,
        %get3A_27 = arith.constant 1 : i32
        %get3A_28 = arith.index_cast %get3A_27 : i32 to index
        %get3A_29 = arith.index_cast %mul3A_23 : i32 to index
        %get3A_30 = tpu.vector_load %arg4[%get3A_28, %get3A_29] {strides = array<i32>} : memref<3x15104xi32, #tpu.memory_space<vmem>>, vector<16xi32>,
        %get3A_31 = arith.constant 2 : i32
        %get3A_32 = arith.index_cast %get3A_31 : i32 to index
        %get3A_33 = arith.index_cast %mul3A_23 : i32 to index
        %get3A_34 = tpu.vector_load %arg4[%get3A_32, %get3A_33] {strides = array<i32>} : memref<3x15104xi32, #tpu.memory_space<vmem>>, vector<16xi32>,
        %mul3A_35 = arith.constant 2 : i32
        %mul3A_36 = vector.broadcast %mul3A_35 : i32 to vector<16xi32>
        %mul3A_37 = arith.muli %get3A_34, %mul3A_36 : vector<16xi32>
        %add3A_38 = arith.constant 1 : i32
        %add3A_39 = vector.broadcast %add3A_38 : i32 to vector<16xi32>
        %add3A_40 = arith.addi %mul3A_37, %add3A_39 : vector<16xi32>
        %mul3A_41 = arith.constant 2913 : i32
        %mul3A_42 = vector.broadcast %mul3A_41 : i32 to vector<16xi32>
        %mul3A_43 = arith.muli %add3A_40, %mul3A_42 : vector<16xi32>
        %shift_right_arithmetic3A = arith.constant 17 : i32
        %shift_right_arithmetic3A_44 = vector.broadcast %shift_right_arithmetic3A : i32 to vector<16xi32>
        %shift_right_arithmetic3A_45 = arith.shrsi %mul3A_43, %shift_right_arithmetic3A_44 : vector<16xi32>
        %broadcast_in_dim3A = arith.constant 216 : i32
        %broadcast_in_dim3A_46 = vector.broadcast %broadcast_in_dim3A : i32 to vector<16xi32>
        %eq3A = arith.constant 6 : i32
        %eq3A_47 = vector.broadcast %eq3A : i32 to vector<16xi32>
        %eq3A_48 = arith.cmpi eq, %shift_right_arithmetic3A_45, %eq3A_47 : vector<16xi32>
        %jit3A = arith.constant 177 : i32
        %broadcast_in_dim3A_49 = vector.broadcast %jit3A : i32 to vector<16xi32>
        %select_n3A = arith.select %eq3A_48, %broadcast_in_dim3A_49, %broadcast_in_dim3A_46 : vector<16xi1>, vector<16xi32>
        %eq3A_50 = arith.constant 5 : i32
        %eq3A_51 = vector.broadcast %eq3A_50 : i32 to vector<16xi32>
        %eq3A_52 = arith.cmpi eq, %shift_right_arithmetic3A_45, %eq3A_51 : vector<16xi32>
        %jit3A_53 = arith.constant 39 : i32
        %broadcast_in_dim3A_54 = vector.broadcast %jit3A_53 : i32 to vector<16xi32>
        %select_n3A_55 = arith.select %eq3A_52, %broadcast_in_dim3A_54, %select_n3A : vector<16xi1>, vector<16xi32>
        %eq3A_56 = arith.constant 4 : i32
        %eq3A_57 = vector.broadcast %eq3A_56 : i32 to vector<16xi32>
        %eq3A_58 = arith.cmpi eq, %shift_right_arithmetic3A_45, %eq3A_57 : vector<16xi32>
        %jit3A_59 = arith.constant 99 : i32
        %broadcast_in_dim3A_60 = vector.broadcast %jit3A_59 : i32 to vector<16xi32>
        %select_n3A_61 = arith.select %eq3A_58, %broadcast_in_dim3A_60, %select_n3A_55 : vector<16xi1>, vector<16xi32>
        %eq3A_62 = arith.constant 3 : i32
        %eq3A_63 = vector.broadcast %eq3A_62 : i32 to vector<16xi32>
        %eq3A_64 = arith.cmpi eq, %shift_right_arithmetic3A_45, %eq3A_63 : vector<16xi32>
        %jit3A_65 = arith.constant 30 : i32
        %broadcast_in_dim3A_66 = vector.broadcast %jit3A_65 : i32 to vector<16xi32>
        %select_n3A_67 = arith.select %eq3A_64, %broadcast_in_dim3A_66, %select_n3A_61 : vector<16xi1>, vector<16xi32>
        %eq3A_68 = arith.constant 2 : i32
        %eq3A_69 = vector.broadcast %eq3A_68 : i32 to vector<16xi32>
        %eq3A_70 = arith.cmpi eq, %shift_right_arithmetic3A_45, %eq3A_69 : vector<16xi32>
        %jit3A_71 = arith.constant 228 : i32
        %broadcast_in_dim3A_72 = vector.broadcast %jit3A_71 : i32 to vector<16xi32>
        %select_n3A_73 = arith.select %eq3A_70, %broadcast_in_dim3A_72, %select_n3A_67 : vector<16xi1>, vector<16xi32>
        %eq3A_74 = arith.constant 1 : i32
        %eq3A_75 = vector.broadcast %eq3A_74 : i32 to vector<16xi32>
        %eq3A_76 = arith.cmpi eq, %shift_right_arithmetic3A_45, %eq3A_75 : vector<16xi32>
        %jit3A_77 = arith.constant 141 : i32
        %broadcast_in_dim3A_78 = vector.broadcast %jit3A_77 : i32 to vector<16xi32>
        %select_n3A_79 = arith.select %eq3A_76, %broadcast_in_dim3A_78, %select_n3A_73 : vector<16xi1>, vector<16xi32>
        %eq3A_80 = arith.constant 0 : i32
        %eq3A_81 = vector.broadcast %eq3A_80 : i32 to vector<16xi32>
        %eq3A_82 = arith.cmpi eq, %shift_right_arithmetic3A_45, %eq3A_81 : vector<16xi32>
        %jit3A_83 = arith.constant 114 : i32
        %broadcast_in_dim3A_84 = vector.broadcast %jit3A_83 : i32 to vector<16xi32>
        %select_n3A_85 = arith.select %eq3A_82, %broadcast_in_dim3A_84, %select_n3A_79 : vector<16xi1>, vector<16xi32>
        %mul3A_86 = arith.constant 2 : i32
        %mul3A_87 = vector.broadcast %mul3A_86 : i32 to vector<16xi32>
        %mul3A_88 = arith.muli %get3A_26, %mul3A_87 : vector<16xi32>
        %shift_right_arithmetic3A_89 = arith.shrsi %select_n3A_85, %mul3A_88 : vector<16xi32>
        %and3A = arith.constant 3 : i32
        %and3A_90 = vector.broadcast %and3A : i32 to vector<16xi32>
        %and3A_91 = arith.andi %shift_right_arithmetic3A_89, %and3A_90 : vector<16xi32>
        %ge3A_92 = arith.constant 120 : i32
        %ge3A_93 = vector.broadcast %ge3A_92 : i32 to vector<16xi32>
        %ge3A_94 = arith.cmpi sge, %get3A_30, %ge3A_93 : vector<16xi32>
        %select_n3A_95 = arith.select %ge3A_94, %and3A_91, %get3A_26 : vector<16xi1>, vector<16xi32>
        %swap3A = arith.constant 0 : i32
        %swap3A_96 = arith.index_cast %swap3A : i32 to index
        %swap3A_97 = arith.index_cast %mul3A_23 : i32 to index
        %swap3A_98 = tpu.vector_load %arg4[%swap3A_96, %swap3A_97] {strides = array<i32>} : memref<3x15104xi32, #tpu.memory_space<vmem>>, vector<16xi32>,
        tpu.vector_store %arg4[%swap3A_96, %swap3A_97], %select_n3A_95 {strides = array<i32>} : memref<3x15104xi32, #tpu.memory_space<vmem>>, vector<16xi32>,
        %scan3A_99 = arith.constant 1 : i32
        %scan3A_100 = arith.addi %scan3A_17, %scan3A_99 : i32
        %mul3A_101 = arith.constant 1 : i32
        %mul3A_102 = arith.muli %scan3A_100, %mul3A_101 : i32
        %add3A_103 = arith.constant 0 : i32
        %add3A_104 = arith.addi %add3A_103, %mul3A_102 : i32
        %mul3A_105 = arith.constant 16 : i32
        %mul3A_106 = arith.muli %add3A_104, %mul3A_105 : i32
        %get3A_107 = arith.constant 0 : i32
        %get3A_108 = arith.index_cast %get3A_107 : i32 to index
        %get3A_109 = arith.index_cast %mul3A_106 : i32 to index
        %get3A_110 = tpu.vector_load %arg4[%get3A_108, %get3A_109] {strides = array<i32>} : memref<3x15104xi32, #tpu.memory_space<vmem>>, vector<16xi32>,
        %get3A_111 = arith.constant 1 : i32
        %get3A_112 = arith.index_cast %get3A_111 : i32 to index
        %get3A_113 = arith.index_cast %mul3A_106 : i32 to index
        %get3A_114 = tpu.vector_load %arg4[%get3A_112, %get3A_113] {strides = array<i32>} : memref<3x15104xi32, #tpu.memory_space<vmem>>, vector<16xi32>,
        %get3A_115 = arith.constant 2 : i32
        %get3A_116 = arith.index_cast %get3A_115 : i32 to index
        %get3A_117 = arith.index_cast %mul3A_106 : i32 to index
        %get3A_118 = tpu.vector_load %arg4[%get3A_116, %get3A_117] {strides = array<i32>} : memref<3x15104xi32, #tpu.memory_space<vmem>>, vector<16xi32>,
        %mul3A_119 = arith.constant 2 : i32
        %mul3A_120 = vector.broadcast %mul3A_119 : i32 to vector<16xi32>
        %mul3A_121 = arith.muli %get3A_118, %mul3A_120 : vector<16xi32>
        %add3A_122 = arith.constant 1 : i32
        %add3A_123 = vector.broadcast %add3A_122 : i32 to vector<16xi32>
        %add3A_124 = arith.addi %mul3A_121, %add3A_123 : vector<16xi32>
        %mul3A_125 = arith.constant 2913 : i32
        %mul3A_126 = vector.broadcast %mul3A_125 : i32 to vector<16xi32>
        %mul3A_127 = arith.muli %add3A_124, %mul3A_126 : vector<16xi32>
        %shift_right_arithmetic3A_128 = arith.constant 17 : i32
        %shift_right_arithmetic3A_129 = vector.broadcast %shift_right_arithmetic3A_128 : i32 to vector<16xi32>
        %shift_right_arithmetic3A_130 = arith.shrsi %mul3A_127, %shift_right_arithmetic3A_129 : vector<16xi32>
        %broadcast_in_dim3A_131 = arith.constant 216 : i32
        %broadcast_in_dim3A_132 = vector.broadcast %broadcast_in_dim3A_131 : i32 to vector<16xi32>
        %eq3A_133 = arith.constant 6 : i32
        %eq3A_134 = vector.broadcast %eq3A_133 : i32 to vector<16xi32>
        %eq3A_135 = arith.cmpi eq, %shift_right_arithmetic3A_130, %eq3A_134 : vector<16xi32>
        %jit3A_136 = arith.constant 177 : i32
        %broadcast_in_dim3A_137 = vector.broadcast %jit3A_136 : i32 to vector<16xi32>
        %select_n3A_138 = arith.select %eq3A_135, %broadcast_in_dim3A_137, %broadcast_in_dim3A_132 : vector<16xi1>, vector<16xi32>
        %eq3A_139 = arith.constant 5 : i32
        %eq3A_140 = vector.broadcast %eq3A_139 : i32 to vector<16xi32>
        %eq3A_141 = arith.cmpi eq, %shift_right_arithmetic3A_130, %eq3A_140 : vector<16xi32>
        %jit3A_142 = arith.constant 39 : i32
        %broadcast_in_dim3A_143 = vector.broadcast %jit3A_142 : i32 to vector<16xi32>
        %select_n3A_144 = arith.select %eq3A_141, %broadcast_in_dim3A_143, %select_n3A_138 : vector<16xi1>, vector<16xi32>
        %eq3A_145 = arith.constant 4 : i32
        %eq3A_146 = vector.broadcast %eq3A_145 : i32 to vector<16xi32>
        %eq3A_147 = arith.cmpi eq, %shift_right_arithmetic3A_130, %eq3A_146 : vector<16xi32>
        %jit3A_148 = arith.constant 99 : i32
        %broadcast_in_dim3A_149 = vector.broadcast %jit3A_148 : i32 to vector<16xi32>
        %select_n3A_150 = arith.select %eq3A_147, %broadcast_in_dim3A_149, %select_n3A_144 : vector<16xi1>, vector<16xi32>
        %eq3A_151 = arith.constant 3 : i32
        %eq3A_152 = vector.broadcast %eq3A_151 : i32 to vector<16xi32>
        %eq3A_153 = arith.cmpi eq, %shift_right_arithmetic3A_130, %eq3A_152 : vector<16xi32>
        %jit3A_154 = arith.constant 30 : i32
        %broadcast_in_dim3A_155 = vector.broadcast %jit3A_154 : i32 to vector<16xi32>
        %select_n3A_156 = arith.select %eq3A_153, %broadcast_in_dim3A_155, %select_n3A_150 : vector<16xi1>, vector<16xi32>
        %eq3A_157 = arith.constant 2 : i32
        %eq3A_158 = vector.broadcast %eq3A_157 : i32 to vector<16xi32>
        %eq3A_159 = arith.cmpi eq, %shift_right_arithmetic3A_130, %eq3A_158 : vector<16xi32>
        %jit3A_160 = arith.constant 228 : i32
        %broadcast_in_dim3A_161 = vector.broadcast %jit3A_160 : i32 to vector<16xi32>
        %select_n3A_162 = arith.select %eq3A_159, %broadcast_in_dim3A_161, %select_n3A_156 : vector<16xi1>, vector<16xi32>
        %eq3A_163 = arith.constant 1 : i32
        %eq3A_164 = vector.broadcast %eq3A_163 : i32 to vector<16xi32>
        %eq3A_165 = arith.cmpi eq, %shift_right_arithmetic3A_130, %eq3A_164 : vector<16xi32>
        %jit3A_166 = arith.constant 141 : i32
        %broadcast_in_dim3A_167 = vector.broadcast %jit3A_166 : i32 to vector<16xi32>
        %select_n3A_168 = arith.select %eq3A_165, %broadcast_in_dim3A_167, %select_n3A_162 : vector<16xi1>, vector<16xi32>
        %eq3A_169 = arith.constant 0 : i32
        %eq3A_170 = vector.broadcast %eq3A_169 : i32 to vector<16xi32>
        %eq3A_171 = arith.cmpi eq, %shift_right_arithmetic3A_130, %eq3A_170 : vector<16xi32>
        %jit3A_172 = arith.constant 114 : i32
        %broadcast_in_dim3A_173 = vector.broadcast %jit3A_172 : i32 to vector<16xi32>
        %select_n3A_174 = arith.select %eq3A_171, %broadcast_in_dim3A_173, %select_n3A_168 : vector<16xi1>, vector<16xi32>
        %mul3A_175 = arith.constant 2 : i32
        %mul3A_176 = vector.broadcast %mul3A_175 : i32 to vector<16xi32>
        %mul3A_177 = arith.muli %get3A_110, %mul3A_176 : vector<16xi32>
        %shift_right_arithmetic3A_178 = arith.shrsi %select_n3A_174, %mul3A_177 : vector<16xi32>
        %and3A_179 = arith.constant 3 : i32
        %and3A_180 = vector.broadcast %and3A_179 : i32 to vector<16xi32>
        %and3A_181 = arith.andi %shift_right_arithmetic3A_178, %and3A_180 : vector<16xi32>
        %ge3A_182 = arith.constant 120 : i32
        %ge3A_183 = vector.broadcast %ge3A_182 : i32 to vector<16xi32>
        %ge3A_184 = arith.cmpi sge, %get3A_114, %ge3A_183 : vector<16xi32>
        %select_n3A_185 = arith.select %ge3A_184, %and3A_181, %get3A_110 : vector<16xi1>, vector<16xi32>
        %swap3A_186 = arith.constant 0 : i32
        %swap3A_187 = arith.index_cast %swap3A_186 : i32 to index
        %swap3A_188 = arith.index_cast %mul3A_106 : i32 to index
        %swap3A_189 = tpu.vector_load %arg4[%swap3A_187, %swap3A_188] {strides = array<i32>} : memref<3x15104xi32, #tpu.memory_space<vmem>>, vector<16xi32>,
        tpu.vector_store %arg4[%swap3A_187, %swap3A_188], %select_n3A_185 {strides = array<i32>} : memref<3x15104xi32, #tpu.memory_space<vmem>>, vector<16xi32>,
        %scan3A_190 = arith.constant 2 : i32
        %scan3A_191 = arith.addi %scan3A_17, %scan3A_190 : i32
        %mul3A_192 = arith.constant 1 : i32
        %mul3A_193 = arith.muli %scan3A_191, %mul3A_192 : i32
        %add3A_194 = arith.constant 0 : i32
        %add3A_195 = arith.addi %add3A_194, %mul3A_193 : i32
        %mul3A_196 = arith.constant 16 : i32
        %mul3A_197 = arith.muli %add3A_195, %mul3A_196 : i32
        %get3A_198 = arith.constant 0 : i32
        %get3A_199 = arith.index_cast %get3A_198 : i32 to index
        %get3A_200 = arith.index_cast %mul3A_197 : i32 to index
        %get3A_201 = tpu.vector_load %arg4[%get3A_199, %get3A_200] {strides = array<i32>} : memref<3x15104xi32, #tpu.memory_space<vmem>>, vector<16xi32>,
        %get3A_202 = arith.constant 1 : i32
        %get3A_203 = arith.index_cast %get3A_202 : i32 to index
        %get3A_204 = arith.index_cast %mul3A_197 : i32 to index
        %get3A_205 = tpu.vector_load %arg4[%get3A_203, %get3A_204] {strides = array<i32>} : memref<3x15104xi32, #tpu.memory_space<vmem>>, vector<16xi32>,
        %get3A_206 = arith.constant 2 : i32
        %get3A_207 = arith.index_cast %get3A_206 : i32 to index
        %get3A_208 = arith.index_cast %mul3A_197 : i32 to index
        %get3A_209 = tpu.vector_load %arg4[%get3A_207, %get3A_208] {strides = array<i32>} : memref<3x15104xi32, #tpu.memory_space<vmem>>, vector<16xi32>,
        %mul3A_210 = arith.constant 2 : i32
        %mul3A_211 = vector.broadcast %mul3A_210 : i32 to vector<16xi32>
        %mul3A_212 = arith.muli %get3A_209, %mul3A_211 : vector<16xi32>
        %add3A_213 = arith.constant 1 : i32
        %add3A_214 = vector.broadcast %add3A_213 : i32 to vector<16xi32>
        %add3A_215 = arith.addi %mul3A_212, %add3A_214 : vector<16xi32>
        %mul3A_216 = arith.constant 2913 : i32
        %mul3A_217 = vector.broadcast %mul3A_216 : i32 to vector<16xi32>
        %mul3A_218 = arith.muli %add3A_215, %mul3A_217 : vector<16xi32>
        %shift_right_arithmetic3A_219 = arith.constant 17 : i32
        %shift_right_arithmetic3A_220 = vector.broadcast %shift_right_arithmetic3A_219 : i32 to vector<16xi32>
        %shift_right_arithmetic3A_221 = arith.shrsi %mul3A_218, %shift_right_arithmetic3A_220 : vector<16xi32>
        %broadcast_in_dim3A_222 = arith.constant 216 : i32
        %broadcast_in_dim3A_223 = vector.broadcast %broadcast_in_dim3A_222 : i32 to vector<16xi32>
        %eq3A_224 = arith.constant 6 : i32
        %eq3A_225 = vector.broadcast %eq3A_224 : i32 to vector<16xi32>
        %eq3A_226 = arith.cmpi eq, %shift_right_arithmetic3A_221, %eq3A_225 : vector<16xi32>
        %jit3A_227 = arith.constant 177 : i32
        %broadcast_in_dim3A_228 = vector.broadcast %jit3A_227 : i32 to vector<16xi32>
        %select_n3A_229 = arith.select %eq3A_226, %broadcast_in_dim3A_228, %broadcast_in_dim3A_223 : vector<16xi1>, vector<16xi32>
        %eq3A_230 = arith.constant 5 : i32
        %eq3A_231 = vector.broadcast %eq3A_230 : i32 to vector<16xi32>
        %eq3A_232 = arith.cmpi eq, %shift_right_arithmetic3A_221, %eq3A_231 : vector<16xi32>
        %jit3A_233 = arith.constant 39 : i32
        %broadcast_in_dim3A_234 = vector.broadcast %jit3A_233 : i32 to vector<16xi32>
        %select_n3A_235 = arith.select %eq3A_232, %broadcast_in_dim3A_234, %select_n3A_229 : vector<16xi1>, vector<16xi32>
        %eq3A_236 = arith.constant 4 : i32
        %eq3A_237 = vector.broadcast %eq3A_236 : i32 to vector<16xi32>
        %eq3A_238 = arith.cmpi eq, %shift_right_arithmetic3A_221, %eq3A_237 : vector<16xi32>
        %jit3A_239 = arith.constant 99 : i32
        %broadcast_in_dim3A_240 = vector.broadcast %jit3A_239 : i32 to vector<16xi32>
        %select_n3A_241 = arith.select %eq3A_238, %broadcast_in_dim3A_240, %select_n3A_235 : vector<16xi1>, vector<16xi32>
        %eq3A_242 = arith.constant 3 : i32
        %eq3A_243 = vector.broadcast %eq3A_242 : i32 to vector<16xi32>
        %eq3A_244 = arith.cmpi eq, %shift_right_arithmetic3A_221, %eq3A_243 : vector<16xi32>
        %jit3A_245 = arith.constant 30 : i32
        %broadcast_in_dim3A_246 = vector.broadcast %jit3A_245 : i32 to vector<16xi32>
        %select_n3A_247 = arith.select %eq3A_244, %broadcast_in_dim3A_246, %select_n3A_241 : vector<16xi1>, vector<16xi32>
        %eq3A_248 = arith.constant 2 : i32
        %eq3A_249 = vector.broadcast %eq3A_248 : i32 to vector<16xi32>
        %eq3A_250 = arith.cmpi eq, %shift_right_arithmetic3A_221, %eq3A_249 : vector<16xi32>
        %jit3A_251 = arith.constant 228 : i32
        %broadcast_in_dim3A_252 = vector.broadcast %jit3A_251 : i32 to vector<16xi32>
        %select_n3A_253 = arith.select %eq3A_250, %broadcast_in_dim3A_252, %select_n3A_247 : vector<16xi1>, vector<16xi32>
        %eq3A_254 = arith.constant 1 : i32
        %eq3A_255 = vector.broadcast %eq3A_254 : i32 to vector<16xi32>
        %eq3A_256 = arith.cmpi eq, %shift_right_arithmetic3A_221, %eq3A_255 : vector<16xi32>
        %jit3A_257 = arith.constant 141 : i32
        %broadcast_in_dim3A_258 = vector.broadcast %jit3A_257 : i32 to vector<16xi32>
        %select_n3A_259 = arith.select %eq3A_256, %broadcast_in_dim3A_258, %select_n3A_253 : vector<16xi1>, vector<16xi32>
        %eq3A_260 = arith.constant 0 : i32
        %eq3A_261 = vector.broadcast %eq3A_260 : i32 to vector<16xi32>
        %eq3A_262 = arith.cmpi eq, %shift_right_arithmetic3A_221, %eq3A_261 : vector<16xi32>
        %jit3A_263 = arith.constant 114 : i32
        %broadcast_in_dim3A_264 = vector.broadcast %jit3A_263 : i32 to vector<16xi32>
        %select_n3A_265 = arith.select %eq3A_262, %broadcast_in_dim3A_264, %select_n3A_259 : vector<16xi1>, vector<16xi32>
        %mul3A_266 = arith.constant 2 : i32
        %mul3A_267 = vector.broadcast %mul3A_266 : i32 to vector<16xi32>
        %mul3A_268 = arith.muli %get3A_201, %mul3A_267 : vector<16xi32>
        %shift_right_arithmetic3A_269 = arith.shrsi %select_n3A_265, %mul3A_268 : vector<16xi32>
        %and3A_270 = arith.constant 3 : i32
        %and3A_271 = vector.broadcast %and3A_270 : i32 to vector<16xi32>
        %and3A_272 = arith.andi %shift_right_arithmetic3A_269, %and3A_271 : vector<16xi32>
        %ge3A_273 = arith.constant 120 : i32
        %ge3A_274 = vector.broadcast %ge3A_273 : i32 to vector<16xi32>
        %ge3A_275 = arith.cmpi sge, %get3A_205, %ge3A_274 : vector<16xi32>
        %select_n3A_276 = arith.select %ge3A_275, %and3A_272, %get3A_201 : vector<16xi1>, vector<16xi32>
        %swap3A_277 = arith.constant 0 : i32
        %swap3A_278 = arith.index_cast %swap3A_277 : i32 to index
        %swap3A_279 = arith.index_cast %mul3A_197 : i32 to index
        %swap3A_280 = tpu.vector_load %arg4[%swap3A_278, %swap3A_279] {strides = array<i32>} : memref<3x15104xi32, #tpu.memory_space<vmem>>, vector<16xi32>,
        tpu.vector_store %arg4[%swap3A_278, %swap3A_279], %select_n3A_276 {strides = array<i32>} : memref<3x15104xi32, #tpu.memory_space<vmem>>, vector<16xi32>,
        %scan3A_281 = arith.constant 3 : i32
        %scan3A_282 = arith.addi %scan3A_17, %scan3A_281 : i32
        %mul3A_283 = arith.constant 1 : i32
        %mul3A_284 = arith.muli %scan3A_282, %mul3A_283 : i32
        %add3A_285 = arith.constant 0 : i32
        %add3A_286 = arith.addi %add3A_285, %mul3A_284 : i32
        %mul3A_287 = arith.constant 16 : i32
        %mul3A_288 = arith.muli %add3A_286, %mul3A_287 : i32
        %get3A_289 = arith.constant 0 : i32
        %get3A_290 = arith.index_cast %get3A_289 : i32 to index
        %get3A_291 = arith.index_cast %mul3A_288 : i32 to index
        %get3A_292 = tpu.vector_load %arg4[%get3A_290, %get3A_291] {strides = array<i32>} : memref<3x15104xi32, #tpu.memory_space<vmem>>, vector<16xi32>,
        %get3A_293 = arith.constant 1 : i32
        %get3A_294 = arith.index_cast %get3A_293 : i32 to index
        %get3A_295 = arith.index_cast %mul3A_288 : i32 to index
        %get3A_296 = tpu.vector_load %arg4[%get3A_294, %get3A_295] {strides = array<i32>} : memref<3x15104xi32, #tpu.memory_space<vmem>>, vector<16xi32>,
        %get3A_297 = arith.constant 2 : i32
        %get3A_298 = arith.index_cast %get3A_297 : i32 to index
        %get3A_299 = arith.index_cast %mul3A_288 : i32 to index
        %get3A_300 = tpu.vector_load %arg4[%get3A_298, %get3A_299] {strides = array<i32>} : memref<3x15104xi32, #tpu.memory_space<vmem>>, vector<16xi32>,
        %mul3A_301 = arith.constant 2 : i32
        %mul3A_302 = vector.broadcast %mul3A_301 : i32 to vector<16xi32>
        %mul3A_303 = arith.muli %get3A_300, %mul3A_302 : vector<16xi32>
        %add3A_304 = arith.constant 1 : i32
        %add3A_305 = vector.broadcast %add3A_304 : i32 to vector<16xi32>
        %add3A_306 = arith.addi %mul3A_303, %add3A_305 : vector<16xi32>
        %mul3A_307 = arith.constant 2913 : i32
        %mul3A_308 = vector.broadcast %mul3A_307 : i32 to vector<16xi32>
        %mul3A_309 = arith.muli %add3A_306, %mul3A_308 : vector<16xi32>
        %shift_right_arithmetic3A_310 = arith.constant 17 : i32
        %shift_right_arithmetic3A_311 = vector.broadcast %shift_right_arithmetic3A_310 : i32 to vector<16xi32>
        %shift_right_arithmetic3A_312 = arith.shrsi %mul3A_309, %shift_right_arithmetic3A_311 : vector<16xi32>
        %broadcast_in_dim3A_313 = arith.constant 216 : i32
        %broadcast_in_dim3A_314 = vector.broadcast %broadcast_in_dim3A_313 : i32 to vector<16xi32>
        %eq3A_315 = arith.constant 6 : i32
        %eq3A_316 = vector.broadcast %eq3A_315 : i32 to vector<16xi32>
        %eq3A_317 = arith.cmpi eq, %shift_right_arithmetic3A_312, %eq3A_316 : vector<16xi32>
        %jit3A_318 = arith.constant 177 : i32
        %broadcast_in_dim3A_319 = vector.broadcast %jit3A_318 : i32 to vector<16xi32>
        %select_n3A_320 = arith.select %eq3A_317, %broadcast_in_dim3A_319, %broadcast_in_dim3A_314 : vector<16xi1>, vector<16xi32>
        %eq3A_321 = arith.constant 5 : i32
        %eq3A_322 = vector.broadcast %eq3A_321 : i32 to vector<16xi32>
        %eq3A_323 = arith.cmpi eq, %shift_right_arithmetic3A_312, %eq3A_322 : vector<16xi32>
        %jit3A_324 = arith.constant 39 : i32
        %broadcast_in_dim3A_325 = vector.broadcast %jit3A_324 : i32 to vector<16xi32>
        %select_n3A_326 = arith.select %eq3A_323, %broadcast_in_dim3A_325, %select_n3A_320 : vector<16xi1>, vector<16xi32>
        %eq3A_327 = arith.constant 4 : i32
        %eq3A_328 = vector.broadcast %eq3A_327 : i32 to vector<16xi32>
        %eq3A_329 = arith.cmpi eq, %shift_right_arithmetic3A_312, %eq3A_328 : vector<16xi32>
        %jit3A_330 = arith.constant 99 : i32
        %broadcast_in_dim3A_331 = vector.broadcast %jit3A_330 : i32 to vector<16xi32>
        %select_n3A_332 = arith.select %eq3A_329, %broadcast_in_dim3A_331, %select_n3A_326 : vector<16xi1>, vector<16xi32>
        %eq3A_333 = arith.constant 3 : i32
        %eq3A_334 = vector.broadcast %eq3A_333 : i32 to vector<16xi32>
        %eq3A_335 = arith.cmpi eq, %shift_right_arithmetic3A_312, %eq3A_334 : vector<16xi32>
        %jit3A_336 = arith.constant 30 : i32
        %broadcast_in_dim3A_337 = vector.broadcast %jit3A_336 : i32 to vector<16xi32>
        %select_n3A_338 = arith.select %eq3A_335, %broadcast_in_dim3A_337, %select_n3A_332 : vector<16xi1>, vector<16xi32>
        %eq3A_339 = arith.constant 2 : i32
        %eq3A_340 = vector.broadcast %eq3A_339 : i32 to vector<16xi32>
        %eq3A_341 = arith.cmpi eq, %shift_right_arithmetic3A_312, %eq3A_340 : vector<16xi32>
        %jit3A_342 = arith.constant 228 : i32
        %broadcast_in_dim3A_343 = vector.broadcast %jit3A_342 : i32 to vector<16xi32>
        %select_n3A_344 = arith.select %eq3A_341, %broadcast_in_dim3A_343, %select_n3A_338 : vector<16xi1>, vector<16xi32>
        %eq3A_345 = arith.constant 1 : i32
        %eq3A_346 = vector.broadcast %eq3A_345 : i32 to vector<16xi32>
        %eq3A_347 = arith.cmpi eq, %shift_right_arithmetic3A_312, %eq3A_346 : vector<16xi32>
        %jit3A_348 = arith.constant 141 : i32
        %broadcast_in_dim3A_349 = vector.broadcast %jit3A_348 : i32 to vector<16xi32>
        %select_n3A_350 = arith.select %eq3A_347, %broadcast_in_dim3A_349, %select_n3A_344 : vector<16xi1>, vector<16xi32>
        %eq3A_351 = arith.constant 0 : i32
        %eq3A_352 = vector.broadcast %eq3A_351 : i32 to vector<16xi32>
        %eq3A_353 = arith.cmpi eq, %shift_right_arithmetic3A_312, %eq3A_352 : vector<16xi32>
        %jit3A_354 = arith.constant 114 : i32
        %broadcast_in_dim3A_355 = vector.broadcast %jit3A_354 : i32 to vector<16xi32>
        %select_n3A_356 = arith.select %eq3A_353, %broadcast_in_dim3A_355, %select_n3A_350 : vector<16xi1>, vector<16xi32>
        %mul3A_357 = arith.constant 2 : i32
        %mul3A_358 = vector.broadcast %mul3A_357 : i32 to vector<16xi32>
        %mul3A_359 = arith.muli %get3A_292, %mul3A_358 : vector<16xi32>
        %shift_right_arithmetic3A_360 = arith.shrsi %select_n3A_356, %mul3A_359 : vector<16xi32>
        %and3A_361 = arith.constant 3 : i32
        %and3A_362 = vector.broadcast %and3A_361 : i32 to vector<16xi32>
        %and3A_363 = arith.andi %shift_right_arithmetic3A_360, %and3A_362 : vector<16xi32>
        %ge3A_364 = arith.constant 120 : i32
        %ge3A_365 = vector.broadcast %ge3A_364 : i32 to vector<16xi32>
        %ge3A_366 = arith.cmpi sge, %get3A_296, %ge3A_365 : vector<16xi32>
        %select_n3A_367 = arith.select %ge3A_366, %and3A_363, %get3A_292 : vector<16xi1>, vector<16xi32>
        %swap3A_368 = arith.constant 0 : i32
        %swap3A_369 = arith.index_cast %swap3A_368 : i32 to index
        %swap3A_370 = arith.index_cast %mul3A_288 : i32 to index
        %swap3A_371 = tpu.vector_load %arg4[%swap3A_369, %swap3A_370] {strides = array<i32>} : memref<3x15104xi32, #tpu.memory_space<vmem>>, vector<16xi32>,
        tpu.vector_store %arg4[%swap3A_369, %swap3A_370], %select_n3A_367 {strides = array<i32>} : memref<3x15104xi32, #tpu.memory_space<vmem>>, vector<16xi32>,
      }
      %scan3A_16 = arith.constant 944 : i32
      "tpu.region"() ({
        %run_scoped3A = tpu.sem_alloc : memref<!tpu.dma_semaphore, #tpu.memory_space<semaphore_mem>>
        %dma_start3A = arith.constant 0 : i32
        %dma_start3A_17 = arith.constant 0 : i32
        %dma_start3A_18 = tpu.memref_slice %arg4[%dma_start3A, %dma_start3A_17] : memref<3x15104xi32, #tpu.memory_space<vmem>> -> memref<3x15104xi32, #tpu.memory_space<vmem>>
        %dma_start3A_19 = arith.constant 0 : i32
        %dma_start3A_20 = tpu.memref_slice %arg3[%dma_start3A_19, %add3A_6] : memref<3x480000xi32, #tpu.memory_space<hbm>> -> memref<3x15104xi32, #tpu.memory_space<hbm>>
        %dma_start3A_21 = arith.constant 0 : i32
        %dma_start3A_22 = tpu.memref_slice %arg3[%dma_start3A_21, %add3A_6] : memref<3x480000xi32, #tpu.memory_space<hbm>> -> memref<3x15104xi32, #tpu.memory_space<hbm>>
        %dma_start3A_23 = arith.constant 0 : i32
        %dma_start3A_24 = arith.constant 0 : i32
        %dma_start3A_25 = tpu.memref_slice %arg4[%dma_start3A_23, %dma_start3A_24] : memref<3x15104xi32, #tpu.memory_space<vmem>> -> memref<3x15104xi32, #tpu.memory_space<vmem>>
        tpu.enqueue_dma source(%dma_start3A_25 : memref<3x15104xi32, #tpu.memory_space<vmem>>) target(%dma_start3A_22 : memref<3x15104xi32, #tpu.memory_space<hbm>>) target_semaphore(%run_scoped3A : memref<!tpu.dma_semaphore, #tpu.memory_space<semaphore_mem>>)
        %dma_wait3A = arith.constant 0 : i32
        %dma_wait3A_26 = arith.constant 0 : i32
        %dma_wait3A_27 = tpu.memref_slice %arg4[%dma_wait3A, %dma_wait3A_26] : memref<3x15104xi32, #tpu.memory_space<vmem>> -> memref<3x15104xi32, #tpu.memory_space<vmem>>
        %dma_wait3A_28 = arith.constant 0 : i32
        %dma_wait3A_29 = tpu.memref_slice %arg3[%dma_wait3A_28, %add3A_6] : memref<3x480000xi32, #tpu.memory_space<hbm>> -> memref<3x15104xi32, #tpu.memory_space<hbm>>
        %dma_wait3A_30 = arith.constant 0 : i32
        %dma_wait3A_31 = tpu.memref_slice %arg3[%dma_wait3A_30, %add3A_6] : memref<3x480000xi32, #tpu.memory_space<hbm>> -> memref<3x15104xi32, #tpu.memory_space<hbm>>
        %dma_wait3A_32 = arith.constant 0 : i32
        %dma_wait3A_33 = arith.constant 0 : i32
        %dma_wait3A_34 = tpu.memref_slice %arg4[%dma_wait3A_32, %dma_wait3A_33] : memref<3x15104xi32, #tpu.memory_space<vmem>> -> memref<3x15104xi32, #tpu.memory_space<vmem>>
        tpu.wait_dma2 semaphore(%run_scoped3A : memref<!tpu.dma_semaphore, #tpu.memory_space<semaphore_mem>>) src(%dma_wait3A_34 : memref<3x15104xi32, #tpu.memory_space<vmem>>) dst(%dma_wait3A_31 : memref<3x15104xi32, #tpu.memory_space<hbm>>)
        tpu.yield
      }) : () -> ()
    } else {
    }
    %ge3A = arith.constant 6 : i32
    %ge3A_9 = arith.cmpi sge, %add3A, %ge3A : i32
    %convert_element_type3A_10 = arith.extui %ge3A_9 : i1 to i32
    %cond3A_11 = arith.constant 0 : i32
    %cond3A_12 = arith.cmpi ne, %convert_element_type3A_10, %cond3A_11 : i32
    scf.if %cond3A_12 {
      "tpu.region"() ({
        %run_scoped3A = tpu.sem_alloc : memref<!tpu.dma_semaphore, #tpu.memory_space<semaphore_mem>>
        %dma_start3A = arith.constant 0 : i32
        %dma_start3A_17 = arith.constant 0 : i32
        %dma_start3A_18 = tpu.memref_slice %arg4[%dma_start3A, %dma_start3A_17] : memref<3x15104xi32, #tpu.memory_space<vmem>> -> memref<3x14976xi32, #tpu.memory_space<vmem>>
        %dma_start3A_19 = arith.constant 0 : i32
        %dma_start3A_20 = tpu.memref_slice %arg2[%dma_start3A_19, %add3A_6] : memref<3x480000xi32, #tpu.memory_space<hbm>> -> memref<3x14976xi32, #tpu.memory_space<hbm>>
        %dma_start3A_21 = arith.constant 0 : i32
        %dma_start3A_22 = arith.constant 0 : i32
        %dma_start3A_23 = tpu.memref_slice %arg4[%dma_start3A_21, %dma_start3A_22] : memref<3x15104xi32, #tpu.memory_space<vmem>> -> memref<3x14976xi32, #tpu.memory_space<vmem>>
        %dma_start3A_24 = arith.constant 0 : i32
        %dma_start3A_25 = tpu.memref_slice %arg2[%dma_start3A_24, %add3A_6] : memref<3x480000xi32, #tpu.memory_space<hbm>> -> memref<3x14976xi32, #tpu.memory_space<hbm>>
        tpu.enqueue_dma source(%dma_start3A_25 : memref<3x14976xi32, #tpu.memory_space<hbm>>) target(%dma_start3A_23 : memref<3x14976xi32, #tpu.memory_space<vmem>>) target_semaphore(%run_scoped3A : memref<!tpu.dma_semaphore, #tpu.memory_space<semaphore_mem>>)
        %dma_wait3A = arith.constant 0 : i32
        %dma_wait3A_26 = arith.constant 0 : i32
        %dma_wait3A_27 = tpu.memref_slice %arg4[%dma_wait3A, %dma_wait3A_26] : memref<3x15104xi32, #tpu.memory_space<vmem>> -> memref<3x14976xi32, #tpu.memory_space<vmem>>
        %dma_wait3A_28 = arith.constant 0 : i32
        %dma_wait3A_29 = tpu.memref_slice %arg2[%dma_wait3A_28, %add3A_6] : memref<3x480000xi32, #tpu.memory_space<hbm>> -> memref<3x14976xi32, #tpu.memory_space<hbm>>
        %dma_wait3A_30 = arith.constant 0 : i32
        %dma_wait3A_31 = arith.constant 0 : i32
        %dma_wait3A_32 = tpu.memref_slice %arg4[%dma_wait3A_30, %dma_wait3A_31] : memref<3x15104xi32, #tpu.memory_space<vmem>> -> memref<3x14976xi32, #tpu.memory_space<vmem>>
        %dma_wait3A_33 = arith.constant 0 : i32
        %dma_wait3A_34 = tpu.memref_slice %arg2[%dma_wait3A_33, %add3A_6] : memref<3x480000xi32, #tpu.memory_space<hbm>> -> memref<3x14976xi32, #tpu.memory_space<hbm>>
        tpu.wait_dma2 semaphore(%run_scoped3A : memref<!tpu.dma_semaphore, #tpu.memory_space<semaphore_mem>>) src(%dma_wait3A_34 : memref<3x14976xi32, #tpu.memory_space<hbm>>) dst(%dma_wait3A_32 : memref<3x14976xi32, #tpu.memory_space<vmem>>)
        tpu.yield
      }) : () -> ()
      %scan3A = arith.constant 0 : i32
      %scan3A_13 = arith.constant 936 : i32
      %scan3A_14 = arith.addi %scan3A, %scan3A_13 : i32
      %scan3A_15 = arith.constant 4 : i32
      scf.for %scan3A_17 = %scan3A to %scan3A_14 step %scan3A_15  : i32 {
        %mul3A_18 = arith.constant 1 : i32
        %mul3A_19 = arith.muli %scan3A_17, %mul3A_18 : i32
        %add3A_20 = arith.constant 0 : i32
        %add3A_21 = arith.addi %add3A_20, %mul3A_19 : i32
        %mul3A_22 = arith.constant 16 : i32
        %mul3A_23 = arith.muli %add3A_21, %mul3A_22 : i32
        %get3A = arith.constant 0 : i32
        %get3A_24 = arith.index_cast %get3A : i32 to index
        %get3A_25 = arith.index_cast %mul3A_23 : i32 to index
        %get3A_26 = tpu.vector_load %arg4[%get3A_24, %get3A_25] {strides = array<i32>} : memref<3x15104xi32, #tpu.memory_space<vmem>>, vector<16xi32>,
        %get3A_27 = arith.constant 1 : i32
        %get3A_28 = arith.index_cast %get3A_27 : i32 to index
        %get3A_29 = arith.index_cast %mul3A_23 : i32 to index
        %get3A_30 = tpu.vector_load %arg4[%get3A_28, %get3A_29] {strides = array<i32>} : memref<3x15104xi32, #tpu.memory_space<vmem>>, vector<16xi32>,
        %get3A_31 = arith.constant 2 : i32
        %get3A_32 = arith.index_cast %get3A_31 : i32 to index
        %get3A_33 = arith.index_cast %mul3A_23 : i32 to index
        %get3A_34 = tpu.vector_load %arg4[%get3A_32, %get3A_33] {strides = array<i32>} : memref<3x15104xi32, #tpu.memory_space<vmem>>, vector<16xi32>,
        %mul3A_35 = arith.constant 2 : i32
        %mul3A_36 = vector.broadcast %mul3A_35 : i32 to vector<16xi32>
        %mul3A_37 = arith.muli %get3A_34, %mul3A_36 : vector<16xi32>
        %add3A_38 = arith.constant 1 : i32
        %add3A_39 = vector.broadcast %add3A_38 : i32 to vector<16xi32>
        %add3A_40 = arith.addi %mul3A_37, %add3A_39 : vector<16xi32>
        %mul3A_41 = arith.constant 2913 : i32
        %mul3A_42 = vector.broadcast %mul3A_41 : i32 to vector<16xi32>
        %mul3A_43 = arith.muli %add3A_40, %mul3A_42 : vector<16xi32>
        %shift_right_arithmetic3A = arith.constant 17 : i32
        %shift_right_arithmetic3A_44 = vector.broadcast %shift_right_arithmetic3A : i32 to vector<16xi32>
        %shift_right_arithmetic3A_45 = arith.shrsi %mul3A_43, %shift_right_arithmetic3A_44 : vector<16xi32>
        %broadcast_in_dim3A = arith.constant 216 : i32
        %broadcast_in_dim3A_46 = vector.broadcast %broadcast_in_dim3A : i32 to vector<16xi32>
        %eq3A = arith.constant 6 : i32
        %eq3A_47 = vector.broadcast %eq3A : i32 to vector<16xi32>
        %eq3A_48 = arith.cmpi eq, %shift_right_arithmetic3A_45, %eq3A_47 : vector<16xi32>
        %jit3A = arith.constant 177 : i32
        %broadcast_in_dim3A_49 = vector.broadcast %jit3A : i32 to vector<16xi32>
        %select_n3A = arith.select %eq3A_48, %broadcast_in_dim3A_49, %broadcast_in_dim3A_46 : vector<16xi1>, vector<16xi32>
        %eq3A_50 = arith.constant 5 : i32
        %eq3A_51 = vector.broadcast %eq3A_50 : i32 to vector<16xi32>
        %eq3A_52 = arith.cmpi eq, %shift_right_arithmetic3A_45, %eq3A_51 : vector<16xi32>
        %jit3A_53 = arith.constant 39 : i32
        %broadcast_in_dim3A_54 = vector.broadcast %jit3A_53 : i32 to vector<16xi32>
        %select_n3A_55 = arith.select %eq3A_52, %broadcast_in_dim3A_54, %select_n3A : vector<16xi1>, vector<16xi32>
        %eq3A_56 = arith.constant 4 : i32
        %eq3A_57 = vector.broadcast %eq3A_56 : i32 to vector<16xi32>
        %eq3A_58 = arith.cmpi eq, %shift_right_arithmetic3A_45, %eq3A_57 : vector<16xi32>
        %jit3A_59 = arith.constant 99 : i32
        %broadcast_in_dim3A_60 = vector.broadcast %jit3A_59 : i32 to vector<16xi32>
        %select_n3A_61 = arith.select %eq3A_58, %broadcast_in_dim3A_60, %select_n3A_55 : vector<16xi1>, vector<16xi32>
        %eq3A_62 = arith.constant 3 : i32
        %eq3A_63 = vector.broadcast %eq3A_62 : i32 to vector<16xi32>
        %eq3A_64 = arith.cmpi eq, %shift_right_arithmetic3A_45, %eq3A_63 : vector<16xi32>
        %jit3A_65 = arith.constant 30 : i32
        %broadcast_in_dim3A_66 = vector.broadcast %jit3A_65 : i32 to vector<16xi32>
        %select_n3A_67 = arith.select %eq3A_64, %broadcast_in_dim3A_66, %select_n3A_61 : vector<16xi1>, vector<16xi32>
        %eq3A_68 = arith.constant 2 : i32
        %eq3A_69 = vector.broadcast %eq3A_68 : i32 to vector<16xi32>
        %eq3A_70 = arith.cmpi eq, %shift_right_arithmetic3A_45, %eq3A_69 : vector<16xi32>
        %jit3A_71 = arith.constant 228 : i32
        %broadcast_in_dim3A_72 = vector.broadcast %jit3A_71 : i32 to vector<16xi32>
        %select_n3A_73 = arith.select %eq3A_70, %broadcast_in_dim3A_72, %select_n3A_67 : vector<16xi1>, vector<16xi32>
        %eq3A_74 = arith.constant 1 : i32
        %eq3A_75 = vector.broadcast %eq3A_74 : i32 to vector<16xi32>
        %eq3A_76 = arith.cmpi eq, %shift_right_arithmetic3A_45, %eq3A_75 : vector<16xi32>
        %jit3A_77 = arith.constant 141 : i32
        %broadcast_in_dim3A_78 = vector.broadcast %jit3A_77 : i32 to vector<16xi32>
        %select_n3A_79 = arith.select %eq3A_76, %broadcast_in_dim3A_78, %select_n3A_73 : vector<16xi1>, vector<16xi32>
        %eq3A_80 = arith.constant 0 : i32
        %eq3A_81 = vector.broadcast %eq3A_80 : i32 to vector<16xi32>
        %eq3A_82 = arith.cmpi eq, %shift_right_arithmetic3A_45, %eq3A_81 : vector<16xi32>
        %jit3A_83 = arith.constant 114 : i32
        %broadcast_in_dim3A_84 = vector.broadcast %jit3A_83 : i32 to vector<16xi32>
        %select_n3A_85 = arith.select %eq3A_82, %broadcast_in_dim3A_84, %select_n3A_79 : vector<16xi1>, vector<16xi32>
        %mul3A_86 = arith.constant 2 : i32
        %mul3A_87 = vector.broadcast %mul3A_86 : i32 to vector<16xi32>
        %mul3A_88 = arith.muli %get3A_26, %mul3A_87 : vector<16xi32>
        %shift_right_arithmetic3A_89 = arith.shrsi %select_n3A_85, %mul3A_88 : vector<16xi32>
        %and3A = arith.constant 3 : i32
        %and3A_90 = vector.broadcast %and3A : i32 to vector<16xi32>
        %and3A_91 = arith.andi %shift_right_arithmetic3A_89, %and3A_90 : vector<16xi32>
        %ge3A_92 = arith.constant 120 : i32
        %ge3A_93 = vector.broadcast %ge3A_92 : i32 to vector<16xi32>
        %ge3A_94 = arith.cmpi sge, %get3A_30, %ge3A_93 : vector<16xi32>
        %select_n3A_95 = arith.select %ge3A_94, %and3A_91, %get3A_26 : vector<16xi1>, vector<16xi32>
        %swap3A = arith.constant 0 : i32
        %swap3A_96 = arith.index_cast %swap3A : i32 to index
        %swap3A_97 = arith.index_cast %mul3A_23 : i32 to index
        %swap3A_98 = tpu.vector_load %arg4[%swap3A_96, %swap3A_97] {strides = array<i32>} : memref<3x15104xi32, #tpu.memory_space<vmem>>, vector<16xi32>,
        tpu.vector_store %arg4[%swap3A_96, %swap3A_97], %select_n3A_95 {strides = array<i32>} : memref<3x15104xi32, #tpu.memory_space<vmem>>, vector<16xi32>,
        %scan3A_99 = arith.constant 1 : i32
        %scan3A_100 = arith.addi %scan3A_17, %scan3A_99 : i32
        %mul3A_101 = arith.constant 1 : i32
        %mul3A_102 = arith.muli %scan3A_100, %mul3A_101 : i32
        %add3A_103 = arith.constant 0 : i32
        %add3A_104 = arith.addi %add3A_103, %mul3A_102 : i32
        %mul3A_105 = arith.constant 16 : i32
        %mul3A_106 = arith.muli %add3A_104, %mul3A_105 : i32
        %get3A_107 = arith.constant 0 : i32
        %get3A_108 = arith.index_cast %get3A_107 : i32 to index
        %get3A_109 = arith.index_cast %mul3A_106 : i32 to index
        %get3A_110 = tpu.vector_load %arg4[%get3A_108, %get3A_109] {strides = array<i32>} : memref<3x15104xi32, #tpu.memory_space<vmem>>, vector<16xi32>,
        %get3A_111 = arith.constant 1 : i32
        %get3A_112 = arith.index_cast %get3A_111 : i32 to index
        %get3A_113 = arith.index_cast %mul3A_106 : i32 to index
        %get3A_114 = tpu.vector_load %arg4[%get3A_112, %get3A_113] {strides = array<i32>} : memref<3x15104xi32, #tpu.memory_space<vmem>>, vector<16xi32>,
        %get3A_115 = arith.constant 2 : i32
        %get3A_116 = arith.index_cast %get3A_115 : i32 to index
        %get3A_117 = arith.index_cast %mul3A_106 : i32 to index
        %get3A_118 = tpu.vector_load %arg4[%get3A_116, %get3A_117] {strides = array<i32>} : memref<3x15104xi32, #tpu.memory_space<vmem>>, vector<16xi32>,
        %mul3A_119 = arith.constant 2 : i32
        %mul3A_120 = vector.broadcast %mul3A_119 : i32 to vector<16xi32>
        %mul3A_121 = arith.muli %get3A_118, %mul3A_120 : vector<16xi32>
        %add3A_122 = arith.constant 1 : i32
        %add3A_123 = vector.broadcast %add3A_122 : i32 to vector<16xi32>
        %add3A_124 = arith.addi %mul3A_121, %add3A_123 : vector<16xi32>
        %mul3A_125 = arith.constant 2913 : i32
        %mul3A_126 = vector.broadcast %mul3A_125 : i32 to vector<16xi32>
        %mul3A_127 = arith.muli %add3A_124, %mul3A_126 : vector<16xi32>
        %shift_right_arithmetic3A_128 = arith.constant 17 : i32
        %shift_right_arithmetic3A_129 = vector.broadcast %shift_right_arithmetic3A_128 : i32 to vector<16xi32>
        %shift_right_arithmetic3A_130 = arith.shrsi %mul3A_127, %shift_right_arithmetic3A_129 : vector<16xi32>
        %broadcast_in_dim3A_131 = arith.constant 216 : i32
        %broadcast_in_dim3A_132 = vector.broadcast %broadcast_in_dim3A_131 : i32 to vector<16xi32>
        %eq3A_133 = arith.constant 6 : i32
        %eq3A_134 = vector.broadcast %eq3A_133 : i32 to vector<16xi32>
        %eq3A_135 = arith.cmpi eq, %shift_right_arithmetic3A_130, %eq3A_134 : vector<16xi32>
        %jit3A_136 = arith.constant 177 : i32
        %broadcast_in_dim3A_137 = vector.broadcast %jit3A_136 : i32 to vector<16xi32>
        %select_n3A_138 = arith.select %eq3A_135, %broadcast_in_dim3A_137, %broadcast_in_dim3A_132 : vector<16xi1>, vector<16xi32>
        %eq3A_139 = arith.constant 5 : i32
        %eq3A_140 = vector.broadcast %eq3A_139 : i32 to vector<16xi32>
        %eq3A_141 = arith.cmpi eq, %shift_right_arithmetic3A_130, %eq3A_140 : vector<16xi32>
        %jit3A_142 = arith.constant 39 : i32
        %broadcast_in_dim3A_143 = vector.broadcast %jit3A_142 : i32 to vector<16xi32>
        %select_n3A_144 = arith.select %eq3A_141, %broadcast_in_dim3A_143, %select_n3A_138 : vector<16xi1>, vector<16xi32>
        %eq3A_145 = arith.constant 4 : i32
        %eq3A_146 = vector.broadcast %eq3A_145 : i32 to vector<16xi32>
        %eq3A_147 = arith.cmpi eq, %shift_right_arithmetic3A_130, %eq3A_146 : vector<16xi32>
        %jit3A_148 = arith.constant 99 : i32
        %broadcast_in_dim3A_149 = vector.broadcast %jit3A_148 : i32 to vector<16xi32>
        %select_n3A_150 = arith.select %eq3A_147, %broadcast_in_dim3A_149, %select_n3A_144 : vector<16xi1>, vector<16xi32>
        %eq3A_151 = arith.constant 3 : i32
        %eq3A_152 = vector.broadcast %eq3A_151 : i32 to vector<16xi32>
        %eq3A_153 = arith.cmpi eq, %shift_right_arithmetic3A_130, %eq3A_152 : vector<16xi32>
        %jit3A_154 = arith.constant 30 : i32
        %broadcast_in_dim3A_155 = vector.broadcast %jit3A_154 : i32 to vector<16xi32>
        %select_n3A_156 = arith.select %eq3A_153, %broadcast_in_dim3A_155, %select_n3A_150 : vector<16xi1>, vector<16xi32>
        %eq3A_157 = arith.constant 2 : i32
        %eq3A_158 = vector.broadcast %eq3A_157 : i32 to vector<16xi32>
        %eq3A_159 = arith.cmpi eq, %shift_right_arithmetic3A_130, %eq3A_158 : vector<16xi32>
        %jit3A_160 = arith.constant 228 : i32
        %broadcast_in_dim3A_161 = vector.broadcast %jit3A_160 : i32 to vector<16xi32>
        %select_n3A_162 = arith.select %eq3A_159, %broadcast_in_dim3A_161, %select_n3A_156 : vector<16xi1>, vector<16xi32>
        %eq3A_163 = arith.constant 1 : i32
        %eq3A_164 = vector.broadcast %eq3A_163 : i32 to vector<16xi32>
        %eq3A_165 = arith.cmpi eq, %shift_right_arithmetic3A_130, %eq3A_164 : vector<16xi32>
        %jit3A_166 = arith.constant 141 : i32
        %broadcast_in_dim3A_167 = vector.broadcast %jit3A_166 : i32 to vector<16xi32>
        %select_n3A_168 = arith.select %eq3A_165, %broadcast_in_dim3A_167, %select_n3A_162 : vector<16xi1>, vector<16xi32>
        %eq3A_169 = arith.constant 0 : i32
        %eq3A_170 = vector.broadcast %eq3A_169 : i32 to vector<16xi32>
        %eq3A_171 = arith.cmpi eq, %shift_right_arithmetic3A_130, %eq3A_170 : vector<16xi32>
        %jit3A_172 = arith.constant 114 : i32
        %broadcast_in_dim3A_173 = vector.broadcast %jit3A_172 : i32 to vector<16xi32>
        %select_n3A_174 = arith.select %eq3A_171, %broadcast_in_dim3A_173, %select_n3A_168 : vector<16xi1>, vector<16xi32>
        %mul3A_175 = arith.constant 2 : i32
        %mul3A_176 = vector.broadcast %mul3A_175 : i32 to vector<16xi32>
        %mul3A_177 = arith.muli %get3A_110, %mul3A_176 : vector<16xi32>
        %shift_right_arithmetic3A_178 = arith.shrsi %select_n3A_174, %mul3A_177 : vector<16xi32>
        %and3A_179 = arith.constant 3 : i32
        %and3A_180 = vector.broadcast %and3A_179 : i32 to vector<16xi32>
        %and3A_181 = arith.andi %shift_right_arithmetic3A_178, %and3A_180 : vector<16xi32>
        %ge3A_182 = arith.constant 120 : i32
        %ge3A_183 = vector.broadcast %ge3A_182 : i32 to vector<16xi32>
        %ge3A_184 = arith.cmpi sge, %get3A_114, %ge3A_183 : vector<16xi32>
        %select_n3A_185 = arith.select %ge3A_184, %and3A_181, %get3A_110 : vector<16xi1>, vector<16xi32>
        %swap3A_186 = arith.constant 0 : i32
        %swap3A_187 = arith.index_cast %swap3A_186 : i32 to index
        %swap3A_188 = arith.index_cast %mul3A_106 : i32 to index
        %swap3A_189 = tpu.vector_load %arg4[%swap3A_187, %swap3A_188] {strides = array<i32>} : memref<3x15104xi32, #tpu.memory_space<vmem>>, vector<16xi32>,
        tpu.vector_store %arg4[%swap3A_187, %swap3A_188], %select_n3A_185 {strides = array<i32>} : memref<3x15104xi32, #tpu.memory_space<vmem>>, vector<16xi32>,
        %scan3A_190 = arith.constant 2 : i32
        %scan3A_191 = arith.addi %scan3A_17, %scan3A_190 : i32
        %mul3A_192 = arith.constant 1 : i32
        %mul3A_193 = arith.muli %scan3A_191, %mul3A_192 : i32
        %add3A_194 = arith.constant 0 : i32
        %add3A_195 = arith.addi %add3A_194, %mul3A_193 : i32
        %mul3A_196 = arith.constant 16 : i32
        %mul3A_197 = arith.muli %add3A_195, %mul3A_196 : i32
        %get3A_198 = arith.constant 0 : i32
        %get3A_199 = arith.index_cast %get3A_198 : i32 to index
        %get3A_200 = arith.index_cast %mul3A_197 : i32 to index
        %get3A_201 = tpu.vector_load %arg4[%get3A_199, %get3A_200] {strides = array<i32>} : memref<3x15104xi32, #tpu.memory_space<vmem>>, vector<16xi32>,
        %get3A_202 = arith.constant 1 : i32
        %get3A_203 = arith.index_cast %get3A_202 : i32 to index
        %get3A_204 = arith.index_cast %mul3A_197 : i32 to index
        %get3A_205 = tpu.vector_load %arg4[%get3A_203, %get3A_204] {strides = array<i32>} : memref<3x15104xi32, #tpu.memory_space<vmem>>, vector<16xi32>,
        %get3A_206 = arith.constant 2 : i32
        %get3A_207 = arith.index_cast %get3A_206 : i32 to index
        %get3A_208 = arith.index_cast %mul3A_197 : i32 to index
        %get3A_209 = tpu.vector_load %arg4[%get3A_207, %get3A_208] {strides = array<i32>} : memref<3x15104xi32, #tpu.memory_space<vmem>>, vector<16xi32>,
        %mul3A_210 = arith.constant 2 : i32
        %mul3A_211 = vector.broadcast %mul3A_210 : i32 to vector<16xi32>
        %mul3A_212 = arith.muli %get3A_209, %mul3A_211 : vector<16xi32>
        %add3A_213 = arith.constant 1 : i32
        %add3A_214 = vector.broadcast %add3A_213 : i32 to vector<16xi32>
        %add3A_215 = arith.addi %mul3A_212, %add3A_214 : vector<16xi32>
        %mul3A_216 = arith.constant 2913 : i32
        %mul3A_217 = vector.broadcast %mul3A_216 : i32 to vector<16xi32>
        %mul3A_218 = arith.muli %add3A_215, %mul3A_217 : vector<16xi32>
        %shift_right_arithmetic3A_219 = arith.constant 17 : i32
        %shift_right_arithmetic3A_220 = vector.broadcast %shift_right_arithmetic3A_219 : i32 to vector<16xi32>
        %shift_right_arithmetic3A_221 = arith.shrsi %mul3A_218, %shift_right_arithmetic3A_220 : vector<16xi32>
        %broadcast_in_dim3A_222 = arith.constant 216 : i32
        %broadcast_in_dim3A_223 = vector.broadcast %broadcast_in_dim3A_222 : i32 to vector<16xi32>
        %eq3A_224 = arith.constant 6 : i32
        %eq3A_225 = vector.broadcast %eq3A_224 : i32 to vector<16xi32>
        %eq3A_226 = arith.cmpi eq, %shift_right_arithmetic3A_221, %eq3A_225 : vector<16xi32>
        %jit3A_227 = arith.constant 177 : i32
        %broadcast_in_dim3A_228 = vector.broadcast %jit3A_227 : i32 to vector<16xi32>
        %select_n3A_229 = arith.select %eq3A_226, %broadcast_in_dim3A_228, %broadcast_in_dim3A_223 : vector<16xi1>, vector<16xi32>
        %eq3A_230 = arith.constant 5 : i32
        %eq3A_231 = vector.broadcast %eq3A_230 : i32 to vector<16xi32>
        %eq3A_232 = arith.cmpi eq, %shift_right_arithmetic3A_221, %eq3A_231 : vector<16xi32>
        %jit3A_233 = arith.constant 39 : i32
        %broadcast_in_dim3A_234 = vector.broadcast %jit3A_233 : i32 to vector<16xi32>
        %select_n3A_235 = arith.select %eq3A_232, %broadcast_in_dim3A_234, %select_n3A_229 : vector<16xi1>, vector<16xi32>
        %eq3A_236 = arith.constant 4 : i32
        %eq3A_237 = vector.broadcast %eq3A_236 : i32 to vector<16xi32>
        %eq3A_238 = arith.cmpi eq, %shift_right_arithmetic3A_221, %eq3A_237 : vector<16xi32>
        %jit3A_239 = arith.constant 99 : i32
        %broadcast_in_dim3A_240 = vector.broadcast %jit3A_239 : i32 to vector<16xi32>
        %select_n3A_241 = arith.select %eq3A_238, %broadcast_in_dim3A_240, %select_n3A_235 : vector<16xi1>, vector<16xi32>
        %eq3A_242 = arith.constant 3 : i32
        %eq3A_243 = vector.broadcast %eq3A_242 : i32 to vector<16xi32>
        %eq3A_244 = arith.cmpi eq, %shift_right_arithmetic3A_221, %eq3A_243 : vector<16xi32>
        %jit3A_245 = arith.constant 30 : i32
        %broadcast_in_dim3A_246 = vector.broadcast %jit3A_245 : i32 to vector<16xi32>
        %select_n3A_247 = arith.select %eq3A_244, %broadcast_in_dim3A_246, %select_n3A_241 : vector<16xi1>, vector<16xi32>
        %eq3A_248 = arith.constant 2 : i32
        %eq3A_249 = vector.broadcast %eq3A_248 : i32 to vector<16xi32>
        %eq3A_250 = arith.cmpi eq, %shift_right_arithmetic3A_221, %eq3A_249 : vector<16xi32>
        %jit3A_251 = arith.constant 228 : i32
        %broadcast_in_dim3A_252 = vector.broadcast %jit3A_251 : i32 to vector<16xi32>
        %select_n3A_253 = arith.select %eq3A_250, %broadcast_in_dim3A_252, %select_n3A_247 : vector<16xi1>, vector<16xi32>
        %eq3A_254 = arith.constant 1 : i32
        %eq3A_255 = vector.broadcast %eq3A_254 : i32 to vector<16xi32>
        %eq3A_256 = arith.cmpi eq, %shift_right_arithmetic3A_221, %eq3A_255 : vector<16xi32>
        %jit3A_257 = arith.constant 141 : i32
        %broadcast_in_dim3A_258 = vector.broadcast %jit3A_257 : i32 to vector<16xi32>
        %select_n3A_259 = arith.select %eq3A_256, %broadcast_in_dim3A_258, %select_n3A_253 : vector<16xi1>, vector<16xi32>
        %eq3A_260 = arith.constant 0 : i32
        %eq3A_261 = vector.broadcast %eq3A_260 : i32 to vector<16xi32>
        %eq3A_262 = arith.cmpi eq, %shift_right_arithmetic3A_221, %eq3A_261 : vector<16xi32>
        %jit3A_263 = arith.constant 114 : i32
        %broadcast_in_dim3A_264 = vector.broadcast %jit3A_263 : i32 to vector<16xi32>
        %select_n3A_265 = arith.select %eq3A_262, %broadcast_in_dim3A_264, %select_n3A_259 : vector<16xi1>, vector<16xi32>
        %mul3A_266 = arith.constant 2 : i32
        %mul3A_267 = vector.broadcast %mul3A_266 : i32 to vector<16xi32>
        %mul3A_268 = arith.muli %get3A_201, %mul3A_267 : vector<16xi32>
        %shift_right_arithmetic3A_269 = arith.shrsi %select_n3A_265, %mul3A_268 : vector<16xi32>
        %and3A_270 = arith.constant 3 : i32
        %and3A_271 = vector.broadcast %and3A_270 : i32 to vector<16xi32>
        %and3A_272 = arith.andi %shift_right_arithmetic3A_269, %and3A_271 : vector<16xi32>
        %ge3A_273 = arith.constant 120 : i32
        %ge3A_274 = vector.broadcast %ge3A_273 : i32 to vector<16xi32>
        %ge3A_275 = arith.cmpi sge, %get3A_205, %ge3A_274 : vector<16xi32>
        %select_n3A_276 = arith.select %ge3A_275, %and3A_272, %get3A_201 : vector<16xi1>, vector<16xi32>
        %swap3A_277 = arith.constant 0 : i32
        %swap3A_278 = arith.index_cast %swap3A_277 : i32 to index
        %swap3A_279 = arith.index_cast %mul3A_197 : i32 to index
        %swap3A_280 = tpu.vector_load %arg4[%swap3A_278, %swap3A_279] {strides = array<i32>} : memref<3x15104xi32, #tpu.memory_space<vmem>>, vector<16xi32>,
        tpu.vector_store %arg4[%swap3A_278, %swap3A_279], %select_n3A_276 {strides = array<i32>} : memref<3x15104xi32, #tpu.memory_space<vmem>>, vector<16xi32>,
        %scan3A_281 = arith.constant 3 : i32
        %scan3A_282 = arith.addi %scan3A_17, %scan3A_281 : i32
        %mul3A_283 = arith.constant 1 : i32
        %mul3A_284 = arith.muli %scan3A_282, %mul3A_283 : i32
        %add3A_285 = arith.constant 0 : i32
        %add3A_286 = arith.addi %add3A_285, %mul3A_284 : i32
        %mul3A_287 = arith.constant 16 : i32
        %mul3A_288 = arith.muli %add3A_286, %mul3A_287 : i32
        %get3A_289 = arith.constant 0 : i32
        %get3A_290 = arith.index_cast %get3A_289 : i32 to index
        %get3A_291 = arith.index_cast %mul3A_288 : i32 to index
        %get3A_292 = tpu.vector_load %arg4[%get3A_290, %get3A_291] {strides = array<i32>} : memref<3x15104xi32, #tpu.memory_space<vmem>>, vector<16xi32>,
        %get3A_293 = arith.constant 1 : i32
        %get3A_294 = arith.index_cast %get3A_293 : i32 to index
        %get3A_295 = arith.index_cast %mul3A_288 : i32 to index
        %get3A_296 = tpu.vector_load %arg4[%get3A_294, %get3A_295] {strides = array<i32>} : memref<3x15104xi32, #tpu.memory_space<vmem>>, vector<16xi32>,
        %get3A_297 = arith.constant 2 : i32
        %get3A_298 = arith.index_cast %get3A_297 : i32 to index
        %get3A_299 = arith.index_cast %mul3A_288 : i32 to index
        %get3A_300 = tpu.vector_load %arg4[%get3A_298, %get3A_299] {strides = array<i32>} : memref<3x15104xi32, #tpu.memory_space<vmem>>, vector<16xi32>,
        %mul3A_301 = arith.constant 2 : i32
        %mul3A_302 = vector.broadcast %mul3A_301 : i32 to vector<16xi32>
        %mul3A_303 = arith.muli %get3A_300, %mul3A_302 : vector<16xi32>
        %add3A_304 = arith.constant 1 : i32
        %add3A_305 = vector.broadcast %add3A_304 : i32 to vector<16xi32>
        %add3A_306 = arith.addi %mul3A_303, %add3A_305 : vector<16xi32>
        %mul3A_307 = arith.constant 2913 : i32
        %mul3A_308 = vector.broadcast %mul3A_307 : i32 to vector<16xi32>
        %mul3A_309 = arith.muli %add3A_306, %mul3A_308 : vector<16xi32>
        %shift_right_arithmetic3A_310 = arith.constant 17 : i32
        %shift_right_arithmetic3A_311 = vector.broadcast %shift_right_arithmetic3A_310 : i32 to vector<16xi32>
        %shift_right_arithmetic3A_312 = arith.shrsi %mul3A_309, %shift_right_arithmetic3A_311 : vector<16xi32>
        %broadcast_in_dim3A_313 = arith.constant 216 : i32
        %broadcast_in_dim3A_314 = vector.broadcast %broadcast_in_dim3A_313 : i32 to vector<16xi32>
        %eq3A_315 = arith.constant 6 : i32
        %eq3A_316 = vector.broadcast %eq3A_315 : i32 to vector<16xi32>
        %eq3A_317 = arith.cmpi eq, %shift_right_arithmetic3A_312, %eq3A_316 : vector<16xi32>
        %jit3A_318 = arith.constant 177 : i32
        %broadcast_in_dim3A_319 = vector.broadcast %jit3A_318 : i32 to vector<16xi32>
        %select_n3A_320 = arith.select %eq3A_317, %broadcast_in_dim3A_319, %broadcast_in_dim3A_314 : vector<16xi1>, vector<16xi32>
        %eq3A_321 = arith.constant 5 : i32
        %eq3A_322 = vector.broadcast %eq3A_321 : i32 to vector<16xi32>
        %eq3A_323 = arith.cmpi eq, %shift_right_arithmetic3A_312, %eq3A_322 : vector<16xi32>
        %jit3A_324 = arith.constant 39 : i32
        %broadcast_in_dim3A_325 = vector.broadcast %jit3A_324 : i32 to vector<16xi32>
        %select_n3A_326 = arith.select %eq3A_323, %broadcast_in_dim3A_325, %select_n3A_320 : vector<16xi1>, vector<16xi32>
        %eq3A_327 = arith.constant 4 : i32
        %eq3A_328 = vector.broadcast %eq3A_327 : i32 to vector<16xi32>
        %eq3A_329 = arith.cmpi eq, %shift_right_arithmetic3A_312, %eq3A_328 : vector<16xi32>
        %jit3A_330 = arith.constant 99 : i32
        %broadcast_in_dim3A_331 = vector.broadcast %jit3A_330 : i32 to vector<16xi32>
        %select_n3A_332 = arith.select %eq3A_329, %broadcast_in_dim3A_331, %select_n3A_326 : vector<16xi1>, vector<16xi32>
        %eq3A_333 = arith.constant 3 : i32
        %eq3A_334 = vector.broadcast %eq3A_333 : i32 to vector<16xi32>
        %eq3A_335 = arith.cmpi eq, %shift_right_arithmetic3A_312, %eq3A_334 : vector<16xi32>
        %jit3A_336 = arith.constant 30 : i32
        %broadcast_in_dim3A_337 = vector.broadcast %jit3A_336 : i32 to vector<16xi32>
        %select_n3A_338 = arith.select %eq3A_335, %broadcast_in_dim3A_337, %select_n3A_332 : vector<16xi1>, vector<16xi32>
        %eq3A_339 = arith.constant 2 : i32
        %eq3A_340 = vector.broadcast %eq3A_339 : i32 to vector<16xi32>
        %eq3A_341 = arith.cmpi eq, %shift_right_arithmetic3A_312, %eq3A_340 : vector<16xi32>
        %jit3A_342 = arith.constant 228 : i32
        %broadcast_in_dim3A_343 = vector.broadcast %jit3A_342 : i32 to vector<16xi32>
        %select_n3A_344 = arith.select %eq3A_341, %broadcast_in_dim3A_343, %select_n3A_338 : vector<16xi1>, vector<16xi32>
        %eq3A_345 = arith.constant 1 : i32
        %eq3A_346 = vector.broadcast %eq3A_345 : i32 to vector<16xi32>
        %eq3A_347 = arith.cmpi eq, %shift_right_arithmetic3A_312, %eq3A_346 : vector<16xi32>
        %jit3A_348 = arith.constant 141 : i32
        %broadcast_in_dim3A_349 = vector.broadcast %jit3A_348 : i32 to vector<16xi32>
        %select_n3A_350 = arith.select %eq3A_347, %broadcast_in_dim3A_349, %select_n3A_344 : vector<16xi1>, vector<16xi32>
        %eq3A_351 = arith.constant 0 : i32
        %eq3A_352 = vector.broadcast %eq3A_351 : i32 to vector<16xi32>
        %eq3A_353 = arith.cmpi eq, %shift_right_arithmetic3A_312, %eq3A_352 : vector<16xi32>
        %jit3A_354 = arith.constant 114 : i32
        %broadcast_in_dim3A_355 = vector.broadcast %jit3A_354 : i32 to vector<16xi32>
        %select_n3A_356 = arith.select %eq3A_353, %broadcast_in_dim3A_355, %select_n3A_350 : vector<16xi1>, vector<16xi32>
        %mul3A_357 = arith.constant 2 : i32
        %mul3A_358 = vector.broadcast %mul3A_357 : i32 to vector<16xi32>
        %mul3A_359 = arith.muli %get3A_292, %mul3A_358 : vector<16xi32>
        %shift_right_arithmetic3A_360 = arith.shrsi %select_n3A_356, %mul3A_359 : vector<16xi32>
        %and3A_361 = arith.constant 3 : i32
        %and3A_362 = vector.broadcast %and3A_361 : i32 to vector<16xi32>
        %and3A_363 = arith.andi %shift_right_arithmetic3A_360, %and3A_362 : vector<16xi32>
        %ge3A_364 = arith.constant 120 : i32
        %ge3A_365 = vector.broadcast %ge3A_364 : i32 to vector<16xi32>
        %ge3A_366 = arith.cmpi sge, %get3A_296, %ge3A_365 : vector<16xi32>
        %select_n3A_367 = arith.select %ge3A_366, %and3A_363, %get3A_292 : vector<16xi1>, vector<16xi32>
        %swap3A_368 = arith.constant 0 : i32
        %swap3A_369 = arith.index_cast %swap3A_368 : i32 to index
        %swap3A_370 = arith.index_cast %mul3A_288 : i32 to index
        %swap3A_371 = tpu.vector_load %arg4[%swap3A_369, %swap3A_370] {strides = array<i32>} : memref<3x15104xi32, #tpu.memory_space<vmem>>, vector<16xi32>,
        tpu.vector_store %arg4[%swap3A_369, %swap3A_370], %select_n3A_367 {strides = array<i32>} : memref<3x15104xi32, #tpu.memory_space<vmem>>, vector<16xi32>,
      }
      %scan3A_16 = arith.constant 936 : i32
      "tpu.region"() ({
        %run_scoped3A = tpu.sem_alloc : memref<!tpu.dma_semaphore, #tpu.memory_space<semaphore_mem>>
        %dma_start3A = arith.constant 0 : i32
        %dma_start3A_17 = arith.constant 0 : i32
        %dma_start3A_18 = tpu.memref_slice %arg4[%dma_start3A, %dma_start3A_17] : memref<3x15104xi32, #tpu.memory_space<vmem>> -> memref<3x14976xi32, #tpu.memory_space<vmem>>
        %dma_start3A_19 = arith.constant 0 : i32
        %dma_start3A_20 = tpu.memref_slice %arg3[%dma_start3A_19, %add3A_6] : memref<3x480000xi32, #tpu.memory_space<hbm>> -> memref<3x14976xi32, #tpu.memory_space<hbm>>
        %dma_start3A_21 = arith.constant 0 : i32
        %dma_start3A_22 = tpu.memref_slice %arg3[%dma_start3A_21, %add3A_6] : memref<3x480000xi32, #tpu.memory_space<hbm>> -> memref<3x14976xi32, #tpu.memory_space<hbm>>
        %dma_start3A_23 = arith.constant 0 : i32
        %dma_start3A_24 = arith.constant 0 : i32
        %dma_start3A_25 = tpu.memref_slice %arg4[%dma_start3A_23, %dma_start3A_24] : memref<3x15104xi32, #tpu.memory_space<vmem>> -> memref<3x14976xi32, #tpu.memory_space<vmem>>
        tpu.enqueue_dma source(%dma_start3A_25 : memref<3x14976xi32, #tpu.memory_space<vmem>>) target(%dma_start3A_22 : memref<3x14976xi32, #tpu.memory_space<hbm>>) target_semaphore(%run_scoped3A : memref<!tpu.dma_semaphore, #tpu.memory_space<semaphore_mem>>)
        %dma_wait3A = arith.constant 0 : i32
        %dma_wait3A_26 = arith.constant 0 : i32
        %dma_wait3A_27 = tpu.memref_slice %arg4[%dma_wait3A, %dma_wait3A_26] : memref<3x15104xi32, #tpu.memory_space<vmem>> -> memref<3x14976xi32, #tpu.memory_space<vmem>>
        %dma_wait3A_28 = arith.constant 0 : i32
        %dma_wait3A_29 = tpu.memref_slice %arg3[%dma_wait3A_28, %add3A_6] : memref<3x480000xi32, #tpu.memory_space<hbm>> -> memref<3x14976xi32, #tpu.memory_space<hbm>>
        %dma_wait3A_30 = arith.constant 0 : i32
        %dma_wait3A_31 = tpu.memref_slice %arg3[%dma_wait3A_30, %add3A_6] : memref<3x480000xi32, #tpu.memory_space<hbm>> -> memref<3x14976xi32, #tpu.memory_space<hbm>>
        %dma_wait3A_32 = arith.constant 0 : i32
        %dma_wait3A_33 = arith.constant 0 : i32
        %dma_wait3A_34 = tpu.memref_slice %arg4[%dma_wait3A_32, %dma_wait3A_33] : memref<3x15104xi32, #tpu.memory_space<vmem>> -> memref<3x14976xi32, #tpu.memory_space<vmem>>
        tpu.wait_dma2 semaphore(%run_scoped3A : memref<!tpu.dma_semaphore, #tpu.memory_space<semaphore_mem>>) src(%dma_wait3A_34 : memref<3x14976xi32, #tpu.memory_space<vmem>>) dst(%dma_wait3A_31 : memref<3x14976xi32, #tpu.memory_space<hbm>>)
        tpu.yield
      }) : () -> ()
    } else {
    }
    return
  }
}

module attributes {stable_mosaic.version = 14 : i64} {
  func.func @body(%arg0: i32, %arg1: memref<9x16000xf32, #tpu.memory_space<vmem>>, %arg2: memref<9x16000xf32, #tpu.memory_space<vmem>>) attributes {dimension_semantics = [#tpu.dimension_semantics<arbitrary>], iteration_bounds = array<i64: 30>, scalar_prefetch = 0 : i64, scratch_operands = 0 : i64, tpu.core_type = #tpu.core_type<tc>, window_params = [{transform_indices = @transform_0, window_bounds = array<i64: 9, 16000>}, {transform_indices = @transform_1, window_bounds = array<i64: 9, 16000>}]} {
    %get3A = arith.constant 0 : index
    %get3A_0 = arith.constant 0 : index
    %get3A_1 = vector.load %arg1[%get3A, %get3A_0] : memref<9x16000xf32, #tpu.memory_space<vmem>>, vector<9x16000xf32>
    %swap3A = arith.constant 0 : index
    %swap3A_2 = arith.constant 0 : index
    %swap3A_3 = vector.load %arg2[%swap3A, %swap3A_2] : memref<9x16000xf32, #tpu.memory_space<vmem>>, vector<9x16000xf32>
    tpu.vector_store %arg2[%swap3A, %swap3A_2], %get3A_1 {strides = array<i32>} : memref<9x16000xf32, #tpu.memory_space<vmem>>, vector<9x16000xf32>,
    return
  }
  func.func @transform_0(%arg0: i32) -> (i32, i32) {
    %c0_i32 = arith.constant 0 : i32
    %c0_i32_0 = arith.constant 0 : i32
    return %c0_i32, %arg0 : i32, i32
  }
  func.func @transform_1(%arg0: i32) -> (i32, i32) {
    %c0_i32 = arith.constant 0 : i32
    %c0_i32_0 = arith.constant 0 : i32
    return %c0_i32, %arg0 : i32, i32
  }
}

module attributes {stable_mosaic.version = 14 : i64} {
  func.func @body(%arg0: i32, %arg1: i32, %arg2: memref<4x180xi32, #tpu.memory_space<smem>>, %arg3: memref<1x1x32x240xi32, #tpu.memory_space<vmem>>, %arg4: memref<1x1x32x240xi32, #tpu.memory_space<vmem>>, %arg5: memref<1x1x32x240xi32, #tpu.memory_space<vmem>>) attributes {dimension_semantics = [#tpu.dimension_semantics<arbitrary>, #tpu.dimension_semantics<arbitrary>], iteration_bounds = array<i64: 4, 180>, scalar_prefetch = 1 : i64, scratch_operands = 0 : i64, tpu.core_type = #tpu.core_type<tc>, window_params = [{transform_indices = @transform_0, window_bounds = array<i64: 1, 1, 32, 240>}, {transform_indices = @transform_1, window_bounds = array<i64: 1, 1, 32, 240>}, {transform_indices = @transform_2, window_bounds = array<i64: 1, 1, 32, 240>}]} {
    %iota3A = tpu.iota {dimensions = array<i32: 3>} : vector<1x1x32x240xi32>
    %ge3A = arith.constant 120 : i32
    %ge3A_0 = vector.broadcast %ge3A : i32 to vector<1x1x32x240xi32>
    %ge3A_1 = arith.cmpi sge, %iota3A, %ge3A_0 : vector<1x1x32x240xi32>
    %get3A = arith.constant 0 : index
    %get3A_2 = arith.constant 0 : index
    %get3A_3 = arith.constant 0 : index
    %get3A_4 = arith.constant 0 : index
    %get3A_5 = vector.load %arg4[%get3A, %get3A_2, %get3A_3, %get3A_4] : memref<1x1x32x240xi32, #tpu.memory_space<vmem>>, vector<1x1x32x240xi32>
    %get3A_6 = arith.constant 0 : index
    %get3A_7 = arith.constant 0 : index
    %get3A_8 = arith.constant 0 : index
    %get3A_9 = arith.constant 0 : index
    %get3A_10 = vector.load %arg3[%get3A_6, %get3A_7, %get3A_8, %get3A_9] : memref<1x1x32x240xi32, #tpu.memory_space<vmem>>, vector<1x1x32x240xi32>
    %select_n3A = arith.select %ge3A_1, %get3A_5, %get3A_10 : vector<1x1x32x240xi1>, vector<1x1x32x240xi32>
    %swap3A = arith.constant 0 : index
    %swap3A_11 = arith.constant 0 : index
    %swap3A_12 = arith.constant 0 : index
    %swap3A_13 = arith.constant 0 : index
    %swap3A_14 = vector.load %arg5[%swap3A, %swap3A_11, %swap3A_12, %swap3A_13] : memref<1x1x32x240xi32, #tpu.memory_space<vmem>>, vector<1x1x32x240xi32>
    tpu.vector_store %arg5[%swap3A, %swap3A_11, %swap3A_12, %swap3A_13], %select_n3A {strides = array<i32>} : memref<1x1x32x240xi32, #tpu.memory_space<vmem>>, vector<1x1x32x240xi32>,
    return
  }
  func.func @transform_0(%arg0: i32, %arg1: i32, %arg2: memref<4x180xi32, #tpu.memory_space<smem>>) -> (i32, i32, i32, i32) {
    %c0_i32 = arith.constant 0 : i32
    %c0_i32_0 = arith.constant 0 : i32
    %c0_i32_1 = arith.constant 0 : i32
    return %arg0, %arg1, %c0_i32, %c0_i32_0 : i32, i32, i32, i32
  }
  func.func @transform_1(%arg0: i32, %arg1: i32, %arg2: memref<4x180xi32, #tpu.memory_space<smem>>) -> (i32, i32, i32, i32) {
    %get3A = arith.index_cast %arg0 : i32 to index
    %get3A_0 = arith.index_cast %arg1 : i32 to index
    %get3A_1 = memref.load %arg2[%get3A, %get3A_0] : memref<4x180xi32, #tpu.memory_space<smem>>
    %c0_i32 = arith.constant 0 : i32
    %c0_i32_2 = arith.constant 0 : i32
    %c0_i32_3 = arith.constant 0 : i32
    return %get3A_1, %arg1, %c0_i32, %c0_i32_2 : i32, i32, i32, i32
  }
  func.func @transform_2(%arg0: i32, %arg1: i32, %arg2: memref<4x180xi32, #tpu.memory_space<smem>>) -> (i32, i32, i32, i32) {
    %c0_i32 = arith.constant 0 : i32
    %c0_i32_0 = arith.constant 0 : i32
    %c0_i32_1 = arith.constant 0 : i32
    return %arg0, %arg1, %c0_i32, %c0_i32_0 : i32, i32, i32, i32
  }
}

</mosaic_0001>

<sc_bundles>
// kernel: _impl.5.cloned.1.call-start
scs
__scs_entry_jumppad:
0x0: {  	(pc) =	sbr.rel $0x88, $3  }
0x1: {  	(tag) =	ssettag $0x0;
	lr =	simm.s32 $0x1  }
0x2: {  	[smem:$0x3F9E] =	sst lr;
	_ =	strace $0xD0000000  }
0x3: {  	_ = 	snop  }
0x4: {  	_ = 	snop  }
0x5: {  	_ = 	snop  }
0x6: {  	_ = 	snop  }
0x7: {  	_ = 	snop  }
__scs_overlays_trampoline_lowered:
0x8: {  	[smem:$0x3FAD] =	sst s0  }
0x9: {  	[smem:$0x3FAE] =	sst s1  }
0xa: {  	[smem:$0x3FAF] =	sst s2  }
0xb: {  	[smem:$0x3FB0] =	sst s3  }
0xc: {  	[smem:$0x3FB1] =	sst s4  }
0xd: {  	[smem:$0x3FB2] =	sst s5  }
0xe: {  	[smem:$0x3FB3] =	sst s6  }
0xf: {  	[smem:$0x3FB4] =	sst s7  }
0x10: {  	[smem:$0x3FB5] =	sst s8  }
0x11: {  	[smem:$0x3FB6] =	sst s9;
	s0 =	simm.s32 @!p0 $0x0  }
0x12: {  	s1 =	sld [smem:$0x3F9C];
	s0 =	simm.s32 @p0 $0x1  }
0x13: {  	[smem:$0x3FB7] =	sst s0;
	s0 =	simm.s32 @!p1 $0x0  }
0x14: {  	s2 =	sld [smem:$0x3F9B];
	s0 =	simm.s32 @p1 $0x1  }
0x15: {  	[smem:$0x3FB8] =	sst s0;
	s0 =	simm.s32 @!p2 $0x0  }
0x16: {  	s3 =	sld [smem:$0x3FDB];
	s0 =	simm.s32 @p2 $0x1  }
0x17: {  	s4 =	simm.s32 $0x1BF5;
	[smem:$0x3FBA] =	sst s0  }
0x18: {  	s0 =	sld [smem:$0x3F9D];
	_ =	swait.ge [sflag:s4], $0x0  }
0x19: {  	s7 =	sld [smem:$0x3F9E]  }
0x1a: {  	s8 =	sadd.s32 $0xFFFFE003, lr  }
0x1b: {  	s9 =	sadd.s32 $0xFFFFFEF7, lr;
	s5 =	simm.s32 $0xFFFFFFFF;
	p2 =	slt.u32 s8, $0xFFFFF086  }
0x1c: {  	p1 =	slt.u32 s9, $0xF7A;
	s5 =	simm.s32 @!p2 $0x0  }
0x1d: {  	s5 =	simm.s32 @p1 $0x1;
	p0 =	seq.s32 s7, s2  }
0x1e: {  	s7 =	smul.u32 @!p0 $0xF7A, s2;
	p2 =	seq.s32 @!p0 s5, $0x0  }
0x1f: {  	s9 =	smul.u32 $0xF7A, s1;
	s8 =	simm.s32 @!p0 $0x1BF5;
	p2 =	por !p2, p0  }
0x20: {  	[sflag:s8] =	ssyncset.s32 @!p0 $0xFFFFF086;
	s6 =	sadd.s32 @!p0 s3, s7;
	s7 =	simm.s32 @!p0 $0x108  }
0x21: {  	s3 =	sadd.s32 s3, s9;
	s6 =	sadd.s32 @!p0 $0x88, s6;
	s7 =	simm.s32 @p2 $0x1082  }
0x22: {  	[simem:s7], [sflag:s8] =	dma.local @!p0 [hbm:s6], $0xF7A  }
0x23: {  	s9 =	sor.u32 $0xD0000000, s2;
	s6 =	simm.s32 $0x108;
	_ =	swait.ge @!p0 [sflag:s8], $0x0  }
0x24: {  	s3 =	sadd.s32 $0x88, s3;
	s6 =	simm.s32 @!p1 $0x1082;
	[sflag:s4] =	ssyncset.s32 $0xFFFFF086  }
0x25: {  	[simem:s6], [sflag:s4] =	dma.local [hbm:s3], $0xF7A  }
0x26: {  	[smem:$0x3F9E] =	sst s1;
	(tag) =	ssettag s2;
	_ =	strace s9  }
0x27: {  	s1 =	sld [smem:$0x3FAE]  }
0x28: {  	s2 =	sld [smem:$0x3FAF]  }
0x29: {  	s4 =	sld [smem:$0x3FB1]  }
0x2a: {  	p0 =	seq.s32 s5, $0x0;
	s5 =	sld [smem:$0x3FB2]  }
0x2b: {  	s6 =	sld [smem:$0x3FB3]  }
0x2c: {  	s7 =	sld [smem:$0x3FB4]  }
0x2d: {  	s3 =	simm.s32 $0x108;
	s8 =	sld [smem:$0x3FB5]  }
0x2e: {  	s3 =	simm.s32 @!p0 $0x1082;
	s9 =	sld [smem:$0x3FB6]  }
0x2f: {  	lr =	sadd.s32 s0, s3;
	s0 =	sld [smem:$0x3FAD]  }
0x30: {  	s3 =	sld [smem:$0x3FB0]  }
0x31: {  	[smem:$0x3FB9] =	sst s10  }
0x32: {  	s10 =	sld [smem:$0x3FB7];
	_ =	sdelay $0x3  }
0x33: {  	p0 =	seq.s32 s10, $0x1;
	s10 =	sld [smem:$0x3FB9];
	_ =	sdelay $0x3  }
0x34: {  	[smem:$0x3FB9] =	sst s10  }
0x35: {  	s10 =	sld [smem:$0x3FB8];
	_ =	sdelay $0x3  }
0x36: {  	p1 =	seq.s32 s10, $0x1;
	s10 =	sld [smem:$0x3FB9];
	_ =	sdelay $0x3  }
0x37: {  	[smem:$0x3FB9] =	sst s10  }
0x38: {  	s10 =	sld [smem:$0x3FBA]  }
0x39: {  	_ = 	snop;
	(pc) =	sbr.ind lr, $3  }
0x3a: {  	_ = 	snop  }
0x3b: {  	_ = 	snop  }
0x3c: {  	p2 =	seq.s32 s10, $0x1;
	s10 =	sld [smem:$0x3FB9]  }
0x3d: {  	_ =	shalt  }
0x3e: {  	_ =	shalt  }
0x3f: {  	_ =	shalt  }
0x40: {  	_ =	shalt  }
0x41: {  	_ =	shalt  }
0x42: {  	_ =	shalt  }
0x43: {  	_ =	shalt  }
0x44: {  	_ =	shalt  }
0x45: {  	_ =	shalt  }
0x46: {  	_ =	shalt  }
0x47: {  	_ =	shalt  }
0x48: {  	_ =	shalt  }
0x49: {  	_ =	shalt  }
0x4a: {  	_ =	shalt  }
0x4b: {  	_ =	shalt  }
0x4c: {  	_ =	shalt  }
0x4d: {  	_ =	shalt  }
0x4e: {  	_ =	shalt  }
0x4f: {  	_ =	shalt  }
0x50: {  	_ =	shalt  }
0x51: {  	_ =	shalt  }
0x52: {  	_ =	shalt  }
0x53: {  	_ =	shalt  }
0x54: {  	_ =	shalt  }
0x55: {  	_ =	shalt  }
0x56: {  	_ =	shalt  }
0x57: {  	_ =	shalt  }
0x58: {  	_ =	shalt  }
0x59: {  	_ =	shalt  }
0x5a: {  	_ =	shalt  }
0x5b: {  	_ =	shalt  }
0x5c: {  	_ =	shalt  }
0x5d: {  	_ =	shalt  }
0x5e: {  	_ =	shalt  }
0x5f: {  	_ =	shalt  }
0x60: {  	_ =	shalt  }
0x61: {  	_ =	shalt  }
0x62: {  	_ =	shalt  }
0x63: {  	_ =	shalt  }
0x64: {  	_ =	shalt  }
0x65: {  	_ =	shalt  }
0x66: {  	_ =	shalt  }
0x67: {  	_ =	shalt  }
0x68: {  	_ =	shalt  }
0x69: {  	_ =	shalt  }
0x6a: {  	_ =	shalt  }
0x6b: {  	_ =	shalt  }
0x6c: {  	_ =	shalt  }
0x6d: {  	_ =	shalt  }
0x6e: {  	_ =	shalt  }
0x6f: {  	_ =	shalt  }
0x70: {  	_ =	shalt  }
0x71: {  	_ =	shalt  }
0x72: {  	_ =	shalt  }
0x73: {  	_ =	shalt  }
0x74: {  	_ =	shalt  }
0x75: {  	_ =	shalt  }
0x76: {  	_ =	shalt  }
0x77: {  	_ =	shalt  }
0x78: {  	_ =	shalt  }
0x79: {  	_ =	shalt  }
0x7a: {  	_ =	shalt  }
0x7b: {  	_ =	shalt  }
0x7c: {  	_ =	shalt  }
0x7d: {  	_ =	shalt  }
0x7e: {  	_ =	shalt  }
0x7f: {  	_ =	shalt  }
0x80: {  	_ =	shalt  }
0x81: {  	_ =	shalt  }
0x82: {  	_ =	shalt  }
0x83: {  	_ =	shalt  }
0x84: {  	_ =	shalt  }
0x85: {  	_ =	shalt  }
0x86: {  	_ =	shalt  }
0x87: {  	_ =	shalt  }
.Lfunc_end0:
.L_simem_size_0:
called_computation_lowered:
.L_overlay_start_0:
0x88: {  	s2 =	sld [smem:$0x3FD9]  }
0x89: {  	s3 =	sld [smem:$0x3FFE];
	_ =	sdelay $0x1  }
0x8a: {  	s1 =	srdreg.scid  }
0x8b: {  	s0 =	sand.u32 $0x1, s1  }
0x8c: {  	s15 =	sshll.u32 s0, $0xA;
	s2 =	sadd.s32 s3, s2  }
0x8d: {  	s2 =	sadd.s32 s2, s15  }
0x8e: {  	[smem:$0x3FC5] =	sst s2  }
0x8f: {  	_ = 	snop  }
0x90: {  	s2 =	sld [smem:$0x3FD0];
	_ =	sdelay $0x2  }
0x91: {  	s4 =	simm.s32 $0xA;
	s5 =	simm.s32 $0x10;
	s16 =	sld [smem:$0x3FC8]  }
0x92: {  	[smem:s5], [sflag:s4] =	dma.local [hbm:s2], $0x1  }
0x93: {  	_ =	swait.eq [sflag:s4], $0x1  }
0x94: {  	[sflag:s4] =	ssyncset.done $0x0  }
0x95: {  	[sflag:s4] =	ssyncadd.s32 $0xFFFFFFFF  }
0x96: {  	s17 =	sld [smem:$0x11];
	(tm) =	ssettm $0x1  }
0x97: {  	s18 =	sld [smem:$0x3FFB];
	_ =	sdelay $0x3  }
0x98: {  	_ =	strace s18  }
0x99: {  	s4 =	sld [smem:$0x3FFC];
	_ =	sdelay $0x3  }
0x9a: {  	_ =	strace s4  }
0x9b: {  	s4 =	sld [smem:$0x3FFD];
	_ =	sdelay $0x3  }
0x9c: {  	_ =	strace s4  }
0x9d: {  	_ =	strace $0x8FFFFFFF  }
0x9e: {  	s19 =	sld [smem:$0x3FDB];
	_ =	sdelay $0x1  }
0x9f: {  	s20 =	simm.s32 $_scs_section_size  }
0xa0: {  	s6 =	simm.s32 $_size__tile_overlayer_lowered;
	s7 =	simm.s32 $_tile_overlayer_lowered  }
0xa1: {  	s23 =	simm.s32 $0x1BFF;
	s22 =	sshll.u32 s7, $0x1;
	s4 =	sadd.s32 s20, s19  }
0xa2: {  	s8 =	simm.s32 $0x0;
	s21 =	sshll.u32 s6, $0x1;
	s6 =	sadd.s32 s22, s4  }
0xa3: {  	[timem:s8], [sflag:s23] =	dma.local [hbm:s6], s21  }
0xa4: {  	_ =	swait.ge [sflag:s23], s21  }
0xa5: {  	s5 =	ssub.s32 $0x0, s21;
	[sflag:s23] =	ssyncset.done $0x0  }
0xa6: {  	[sflag:s23] =	ssyncadd.s32 s5;
	_ =	sdelay $0x1  }
0xa7: {  	s24 =	simm.s32 $0x1B8B  }
0xa8: {  	_ =	swait.ge [sflag:s24], $0x1  }
0xa9: {  	[sflag:s24] =	ssyncset.done $0x0  }
0xaa: {  	s25 =	simm.s32 $0x1B8E;
	[sflag:s24] =	ssyncadd.s32 $0xFFFFFFFF  }
0xab: {  	s26 =	simm.s32 $execute0_lowered;
	[smem:$0x3FD2] =	sst s25  }
0xac: {  	s5 =	sshll.u32 s26, $0x1;
	_ =	strace $0x80000046;
	[dreg:$0x1] =	wrdreg $0xFFFFFFFF  }
0xad: {  	s28 =	simm.s32 $_size_execute0_lowered;
	s4 =	sadd.s32 s4, s5;
	[dreg:$0x0] =	wrdreg $0x0  }
0xae: {  	s5 =	sshll.u32 s28, $0x1;
	[dreg:$0x2] =	wrdreg s4  }
0xaf: {  	[dreg:$0x3] =	wrdreg s5  }
0xb0: {  	[dreg:$0x4] =	wrdreg $0xC0  }
0xb1: {  	_ =	task [dreg:s8], $0x5FFFF  }
0xb2: {  	[dreg:$0x1] =	wrdreg $0xFFFFFFFF  }
0xb3: {  	[dreg:$0x0] =	wrdreg $0x60  }
0xb4: {  	[dreg:$0x2] =	wrdreg s16  }
0xb5: {  	[dreg:$0x3] =	wrdreg s17  }
0xb6: {  	[dreg:$0x4] =	wrdreg $0x9  }
0xb7: {  	_ =	task.clear_ibuf [dreg:s8], $0x5FFFF;
	_ =	strace $0x90000046  }
0xb8: {  	s29 =	simm.s32 $0x9;
	_ =	strace $0x80000048  }
0xb9: {  	_ =	swait.ge [sflag:s29], $0x1  }
0xba: {  	[sflag:s29] =	ssyncadd.s32 $0xFFFFFFFF  }
0xbb: {  	_ =	strace $0x90000048  }
0xbc: {  	_ =	sfence  }
0xbd: {  	s30 =	sld [smem:$0x0];
	_ =	sdelay $0x2  }
0xbe: {  	s31 =	sshll.u32 s1, $0xD;
	s1 =	sshrl.u32 s1, $0x2  }
0xbf: {  	s3 =	sand.u32 $0x4000, s31;
	s1 =	sadd.s32 s1, s30  }
0xc0: {  	s0 =	sor.u32 s3, s0;
	s1 =	sshll.u32 s1, $0x11  }
0xc1: {  	s0 =	sor.u32 s1, s0  }
0xc2: {  	s0 =	sadd.s32 $0x8F2B, s0  }
0xc3: {  	[sflag:s0] =	ssyncadd.remote.s32 $0x1  }
0xc4: {  	_ =	sfence.sel $0xFFFF  }
0xc5: {  	[dreg:$0x0] =	wrdreg $0xFFFFFFFF;
	(pc) =	sbr.abs _section_cstart, $3  }
0xc6: {  	[dreg:$0x1] =	wrdreg $0xFFFFFFFF  }
0xc7: {  	_ =	task.clear_ibuf [dreg:s8], $0x2FFFF;
	_ =	strace $0x9FFFFFFF  }
0xc8: {  	(tm) =	ssettm $0x7FFFFFFF  }
0xc9: {  	_ =	shalt  }
tec
execute0_lowered:
.L_overlay_start_1:
0x0: {  	(tag) =	ssettag $0x1  }
0x1: {  	s1 =	srdreg.scid  }
0x2: {  	s0 =	stileid.u32;
	s3 =	rddreg [dreg:$0x0]  }
0x3: {  	s5 =	rddreg [dreg:$0x1];
	s4 =	sand.u32 $0x1, s1;
	s29 =	sshll.u32 s0, $0x1  }
0x4: {  	s1 =	rddreg [dreg:$0x2];
	s2 =	sor.u32 s4, s29  }
0x5: {  	p0 =	sgt.u32 s0, $0x2;
	s6 =	smul.u32 $0x3A80, s2;
	s7 =	smin.u32 s2, $0x6  }
.Ltmp0:
0x6: {  	s2 =	simm.s32 $0x0;
	s7 =	sshll.u32 s7, $0x7;
	(pc) =	sbr.rel .LBB2_1-.Ltmp0, $4  }
0x7: {  	s4 =	ssub.s32 $0x2, s4;
	[smem:$0x7FF] =	sst s2;
	s6 =	sadd.s32 s6, s7  }
0x8: {  	s30 =	sshrl.u32 s4, $0x1;
	_ =	strace $0x80000047;
	s31 =	sshrl.u32 s6, $0x1  }
0x9: {  	s7 =	ssub.s32 s4, s30;
	s6 =	simm.s32 $0x1;
	s3 =	sadd.s32 s3, s31  }
0xa: {  	v0 =	vimm.s32 $0xD8;
	s4 =	sadd.s32 s5, s31;
	s5 =	smax.u32 s7, $0x1;
	s7 =	simm.s32 $0x0  }
.LBB2_7:
0xb: {  	v3 =	vshrl.u32 v3, v4  }
0xc: {  	vm0 =	vgt.s32 v2, $0x77;
	v3 =	vand.u32 $0x3, v3  }
0xd: {  	v1 =	vsel vm0, v3, v1  }
0xe: {  	[tilespmem:s9+$0x30] =	vst v1  }
0xf: {  	[hbm4b:s4+s2] =	stream.linear.scatter [tilespmem:s2], [sflag:$0x1], $0xEA00, $0x38;
	[tilespmem:$0xEC00] =	vst v63  }
0x10: {  	_ =	swait.ge [sflag:s6], $0xEA00  }
0x11: {  	[sflag:s6] =	ssyncset.done $0x0  }
0x12: {  	[sflag:s6] =	ssyncadd.s32 $0xFFFF1600  }
.LBB2_8:
0x13: {  	s7 =	sadd.s32 $0x1, s7  }
0x14: {  	p1 =	sne.s32 s7, s5  }
.Ltmp1:
0x15: {  	_ = 	snop;
	(pc) =	sbr.rel @!p1 .LBB2_9-.Ltmp1, $1  }
0x16: {  	_ =	sdelay $0x3  }
.LBB2_1:
.Ltmp2:
0x17: {  	(pc) =	sbr.rel @p0 .LBB2_5-.Ltmp2, $2  }
0x18: {  	_ =	sdelay $0x2  }
0x19: {  	s8 =	simm.s32 $0x0  }
0x1a: {  	[tilespmem:s8], [sflag:$0x1] =	stream.linear.gather [hbm4b:s3+s8], $0xEC00, $0x38;
	[tilespmem:$0xEC00] =	vst v63  }
0x1b: {  	p1 =	por $0x0, $0x0;
	s9 =	simm.s32 $0x1  }
0x1c: {  	s9 =	simm.s32 @!p1 $0x0  }
0x1d: {  	_ =	swait.ge [sflag:s6], $0xEC00;
	s9 =	sshll.u32 s9, $0x6  }
0x1e: {  	[sflag:s6] =	ssyncset.done $0x0;
	s10 =	sadd.s32 $0x0, s9  }
0x1f: {  	[sflag:s6] =	ssyncadd.s32 $0xFFFF1400;
	s9 =	sor.u32 $0x100, s10  }
0x20: {  	v1 =	vld [tilespmem:s9+$0x0];
	_ =	sdelay $0x4  }
0x21: {  	v1 =	vmul.u32 $0x16C2, v1;
	_ =	sdelay $0x1  }
0x22: {  	v1 =	vadd.s32 $0xB60, v1  }
0x23: {  	v1 =	vshra.s32 v1, $0x11  }
0x24: {  	s29 =	sand.u32 $0x40, s8;
	s11 =	sand.u32 $0xFE00, s8;
	vm0 =	veq.s32 v1, $0x6  }
0x25: {  	s9 =	sor.u32 s29, s11;
	vm11 =	veq.s32 v1, $0x5;
	v2 =	vsel vm0, $0xB1, v0  }
0x26: {  	v3 =	vld [tilespmem:s9+$0x0];
	vm1 =	veq.s32 v1, $0x4;
	v2 =	vsel vm11, $0x27, v2  }
0x27: {  	vm12 =	veq.s32 v1, $0x3;
	v2 =	vsel vm1, $0x63, v2  }
0x28: {  	v4 =	vld [tilespmem:s9+$0x80];
	vm13 =	veq.s32 v1, $0x2;
	v2 =	vsel vm12, $0x1E, v2  }
0x29: {  	vm14 =	veq.s32 v1, $0x1;
	v2 =	vsel vm13, $0xE4, v2  }
0x2a: {  	vm15 =	veq.s32 v1, $0x0;
	v1 =	vsel vm14, $0x8D, v2  }
0x2b: {  	v2 =	vshll.u32 v3, $0x1;
	v1 =	vsel vm15, $0x72, v1  }
0x2c: {  	v1 =	vshrl.u32 v1, v2  }
0x2d: {  	vm4 =	vgt.s32 v4, $0x77;
	v1 =	vand.u32 $0x3, v1  }
0x2e: {  	s30 =	sadd.s32 $0x10, s10;
	v1 =	vsel vm4, v1, v3  }
0x2f: {  	s11 =	sor.u32 $0x100, s30;
	[tilespmem:s9+$0x0] =	vst v1  }
0x30: {  	v1 =	vld [tilespmem:s11+$0x0];
	_ =	sdelay $0x4  }
0x31: {  	v1 =	vmul.u32 $0x16C2, v1;
	_ =	sdelay $0x1  }
0x32: {  	v1 =	vadd.s32 $0xB60, v1  }
0x33: {  	v1 =	vshra.s32 v1, $0x11  }
0x34: {  	vm5 =	veq.s32 v1, $0x6  }
0x35: {  	vm6 =	veq.s32 v1, $0x5;
	v2 =	vsel vm5, $0xB1, v0  }
0x36: {  	v3 =	vld [tilespmem:s9+$0x10];
	vm7 =	veq.s32 v1, $0x4;
	v2 =	vsel vm6, $0x27, v2  }
0x37: {  	vm8 =	veq.s32 v1, $0x3;
	v2 =	vsel vm7, $0x63, v2  }
0x38: {  	v4 =	vld [tilespmem:s9+$0x90];
	vm9 =	veq.s32 v1, $0x2;
	v2 =	vsel vm8, $0x1E, v2  }
0x39: {  	vm10 =	veq.s32 v1, $0x1;
	v2 =	vsel vm9, $0xE4, v2  }
0x3a: {  	vm11 =	veq.s32 v1, $0x0;
	v2 =	vsel vm10, $0x8D, v2  }
0x3b: {  	v1 =	vsel vm11, $0x72, v2;
	v2 =	vshll.u32 v3, $0x1  }
0x3c: {  	v1 =	vshrl.u32 v1, v2  }
0x3d: {  	vm12 =	vgt.s32 v4, $0x77;
	v1 =	vand.u32 $0x3, v1  }
0x3e: {  	s31 =	sadd.s32 $0x20, s10;
	v1 =	vsel vm12, v1, v3  }
0x3f: {  	s11 =	sor.u32 $0x100, s31;
	[tilespmem:s9+$0x10] =	vst v1  }
0x40: {  	v1 =	vld [tilespmem:s11+$0x0];
	_ =	sdelay $0x4  }
0x41: {  	v1 =	vmul.u32 $0x16C2, v1;
	_ =	sdelay $0x1  }
0x42: {  	v1 =	vadd.s32 $0xB60, v1  }
0x43: {  	v1 =	vshra.s32 v1, $0x11  }
0x44: {  	vm13 =	veq.s32 v1, $0x6  }
0x45: {  	vm14 =	veq.s32 v1, $0x5;
	v2 =	vsel vm13, $0xB1, v0  }
0x46: {  	v3 =	vld [tilespmem:s9+$0x20];
	vm15 =	veq.s32 v1, $0x4;
	v2 =	vsel vm14, $0x27, v2  }
0x47: {  	vm4 =	veq.s32 v1, $0x3;
	v2 =	vsel vm15, $0x63, v2  }
0x48: {  	v4 =	vld [tilespmem:s9+$0xA0];
	vm5 =	veq.s32 v1, $0x2;
	v2 =	vsel vm4, $0x1E, v2  }
0x49: {  	vm6 =	veq.s32 v1, $0x1;
	v2 =	vsel vm5, $0xE4, v2  }
0x4a: {  	vm7 =	veq.s32 v1, $0x0;
	v2 =	vsel vm6, $0x8D, v2  }
0x4b: {  	v1 =	vsel vm7, $0x72, v2;
	v2 =	vshll.u32 v3, $0x1  }
0x4c: {  	v1 =	vshrl.u32 v1, v2  }
0x4d: {  	vm8 =	vgt.s32 v4, $0x77;
	v1 =	vand.u32 $0x3, v1  }
0x4e: {  	s10 =	sadd.s32 $0x30, s10;
	v1 =	vsel vm8, v1, v3  }
0x4f: {  	s10 =	sor.u32 $0x100, s10;
	[tilespmem:s9+$0x20] =	vst v1  }
0x50: {  	v1 =	vld [tilespmem:s10+$0x0];
	_ =	sdelay $0x4  }
0x51: {  	v1 =	vmul.u32 $0x16C2, v1;
	_ =	sdelay $0x1  }
0x52: {  	v1 =	vadd.s32 $0xB60, v1  }
0x53: {  	v2 =	vshra.s32 v1, $0x11  }
0x54: {  	vm9 =	veq.s32 v2, $0x6  }
0x55: {  	vm10 =	veq.s32 v2, $0x5;
	v3 =	vsel vm9, $0xB1, v0  }
0x56: {  	v1 =	vld [tilespmem:s9+$0x30];
	vm11 =	veq.s32 v2, $0x4;
	v3 =	vsel vm10, $0x27, v3  }
0x57: {  	vm12 =	veq.s32 v2, $0x3;
	v3 =	vsel vm11, $0x63, v3  }
0x58: {  	vm13 =	veq.s32 v2, $0x2;
	v3 =	vsel vm12, $0x1E, v3  }
0x59: {  	vm14 =	veq.s32 v2, $0x1;
	vm15 =	veq.s32 v2, $0x0;
	v2 =	vld [tilespmem:s9+$0xB0];
	v3 =	vsel vm13, $0xE4, v3  }
0x5a: {  	v3 =	vsel vm14, $0x8D, v3  }
0x5b: {  	p1 =	por !p1, !p1;
	s11 =	simm.s32 $0x0;
	s10 =	simm.s32 $0x0;
	v4 =	vshll.u32 v1, $0x1;
	v3 =	vsel vm15, $0x72, v3  }
.LBB2_3:
0x5c: {  	s12 =	simm.s32 $0x1  }
0x5d: {  	s10 =	sadd.s32 $0x4, s10;
	v3 =	vshrl.u32 v3, v4;
	s12 =	simm.s32 @!p1 $0x0  }
0x5e: {  	s8 =	sadd.s32 $0x100, s8;
	p2 =	slt.u32 s10, $0x3AC;
	v3 =	vand.u32 $0x3, v3;
	vm0 =	vgt.s32 v2, $0x77;
	s12 =	sshll.u32 s12, $0x6  }
0x5f: {  	v1 =	vsel vm0, v3, v1;
	s12 =	sadd.s32 s12, s8  }
0x60: {  	s13 =	sor.u32 $0x100, s12;
	[tilespmem:s9+$0x30] =	vst v1  }
0x61: {  	v1 =	vld [tilespmem:s13+$0x0];
	_ =	sdelay $0x4  }
0x62: {  	v1 =	vmul.u32 $0x16C2, v1;
	_ =	sdelay $0x1  }
0x63: {  	v1 =	vadd.s32 $0xB60, v1  }
0x64: {  	s11 =	sadd.s32 $0x40, s11;
	v1 =	vshra.s32 v1, $0x11  }
0x65: {  	s9 =	sand.u32 $0x40, s11;
	s13 =	sand.u32 $0xFE00, s8;
	vm0 =	veq.s32 v1, $0x6;
	vm1 =	veq.s32 v1, $0x4;
	vm2 =	veq.s32 v1, $0x3  }
0x66: {  	s9 =	sor.u32 s9, s13;
	vm3 =	veq.s32 v1, $0x2;
	v2 =	vsel vm0, $0xB1, v0;
	vm0 =	veq.s32 v1, $0x5  }
0x67: {  	vm4 =	veq.s32 v1, $0x0;
	v3 =	vld [tilespmem:s9+$0x0];
	v2 =	vsel vm0, $0x27, v2;
	vm0 =	veq.s32 v1, $0x1  }
0x68: {  	v1 =	vsel vm1, $0x63, v2  }
0x69: {  	v2 =	vld [tilespmem:s9+$0x80];
	v1 =	vsel vm2, $0x1E, v1  }
0x6a: {  	v1 =	vsel vm3, $0xE4, v1  }
0x6b: {  	v1 =	vsel vm0, $0x8D, v1  }
0x6c: {  	v1 =	vsel vm4, $0x72, v1;
	v4 =	vshll.u32 v3, $0x1  }
0x6d: {  	v1 =	vshrl.u32 v1, v4  }
0x6e: {  	v1 =	vand.u32 $0x3, v1;
	vm0 =	vgt.s32 v2, $0x77  }
0x6f: {  	s13 =	sadd.s32 $0x10, s12;
	v1 =	vsel vm0, v1, v3  }
0x70: {  	s13 =	sor.u32 $0x100, s13;
	[tilespmem:s9+$0x0] =	vst v1  }
0x71: {  	v1 =	vld [tilespmem:s13+$0x0];
	_ =	sdelay $0x4  }
0x72: {  	v1 =	vmul.u32 $0x16C2, v1;
	_ =	sdelay $0x1  }
0x73: {  	v1 =	vadd.s32 $0xB60, v1  }
0x74: {  	v1 =	vshra.s32 v1, $0x11  }
0x75: {  	vm0 =	veq.s32 v1, $0x6  }
0x76: {  	v2 =	vsel vm0, $0xB1, v0;
	vm0 =	veq.s32 v1, $0x5  }
0x77: {  	v3 =	vld [tilespmem:s9+$0x10];
	v2 =	vsel vm0, $0x27, v2;
	vm0 =	veq.s32 v1, $0x4  }
0x78: {  	v2 =	vsel vm0, $0x63, v2;
	vm0 =	veq.s32 v1, $0x3  }
0x79: {  	v4 =	vld [tilespmem:s9+$0x90];
	v2 =	vsel vm0, $0x1E, v2;
	vm0 =	veq.s32 v1, $0x2  }
0x7a: {  	v2 =	vsel vm0, $0xE4, v2;
	vm0 =	veq.s32 v1, $0x1  }
0x7b: {  	v2 =	vsel vm0, $0x8D, v2;
	vm0 =	veq.s32 v1, $0x0  }
0x7c: {  	v1 =	vsel vm0, $0x72, v2;
	v2 =	vshll.u32 v3, $0x1  }
0x7d: {  	v1 =	vshrl.u32 v1, v2  }
0x7e: {  	v1 =	vand.u32 $0x3, v1;
	vm0 =	vgt.s32 v4, $0x77  }
0x7f: {  	s13 =	sadd.s32 $0x20, s12;
	v1 =	vsel vm0, v1, v3  }
0x80: {  	s13 =	sor.u32 $0x100, s13;
	[tilespmem:s9+$0x10] =	vst v1  }
0x81: {  	v1 =	vld [tilespmem:s13+$0x0];
	_ =	sdelay $0x4  }
0x82: {  	v1 =	vmul.u32 $0x16C2, v1;
	_ =	sdelay $0x1  }
0x83: {  	v1 =	vadd.s32 $0xB60, v1  }
0x84: {  	v1 =	vshra.s32 v1, $0x11  }
0x85: {  	vm0 =	veq.s32 v1, $0x6  }
0x86: {  	v2 =	vsel vm0, $0xB1, v0;
	vm0 =	veq.s32 v1, $0x5  }
0x87: {  	v3 =	vld [tilespmem:s9+$0x20];
	v2 =	vsel vm0, $0x27, v2;
	vm0 =	veq.s32 v1, $0x4  }
0x88: {  	v2 =	vsel vm0, $0x63, v2;
	vm0 =	veq.s32 v1, $0x3  }
0x89: {  	v4 =	vld [tilespmem:s9+$0xA0];
	v2 =	vsel vm0, $0x1E, v2;
	vm0 =	veq.s32 v1, $0x2  }
0x8a: {  	v2 =	vsel vm0, $0xE4, v2;
	vm0 =	veq.s32 v1, $0x1  }
0x8b: {  	v2 =	vsel vm0, $0x8D, v2;
	vm0 =	veq.s32 v1, $0x0  }
0x8c: {  	v1 =	vsel vm0, $0x72, v2;
	v2 =	vshll.u32 v3, $0x1  }
0x8d: {  	v1 =	vshrl.u32 v1, v2  }
0x8e: {  	v1 =	vand.u32 $0x3, v1;
	vm0 =	vgt.s32 v4, $0x77  }
0x8f: {  	s12 =	sadd.s32 $0x30, s12;
	v1 =	vsel vm0, v1, v3  }
0x90: {  	s12 =	sor.u32 $0x100, s12;
	[tilespmem:s9+$0x20] =	vst v1  }
0x91: {  	v1 =	vld [tilespmem:s12+$0x0];
	_ =	sdelay $0x4  }
0x92: {  	v1 =	vmul.u32 $0x16C2, v1;
	_ =	sdelay $0x1  }
0x93: {  	v1 =	vadd.s32 $0xB60, v1  }
0x94: {  	v3 =	vshra.s32 v1, $0x11  }
0x95: {  	vm0 =	veq.s32 v3, $0x6  }
0x96: {  	v2 =	vsel vm0, $0xB1, v0;
	vm0 =	veq.s32 v3, $0x5  }
0x97: {  	v1 =	vld [tilespmem:s9+$0x30];
	v2 =	vsel vm0, $0x27, v2;
	vm0 =	veq.s32 v3, $0x4  }
.Ltmp3:
0x98: {  	v4 =	vsel vm0, $0x63, v2;
	vm0 =	veq.s32 v3, $0x3;
	(pc) =	sbr.rel @p2 .LBB2_3-.Ltmp3, $4  }
0x99: {  	v2 =	vld [tilespmem:s9+$0xB0];
	v4 =	vsel vm0, $0x1E, v4;
	vm0 =	veq.s32 v3, $0x2  }
0x9a: {  	v4 =	vsel vm0, $0xE4, v4;
	vm0 =	veq.s32 v3, $0x1  }
0x9b: {  	v4 =	vsel vm0, $0x8D, v4;
	vm0 =	veq.s32 v3, $0x0  }
0x9c: {  	p1 =	por !p1, !p1;
	v3 =	vsel vm0, $0x72, v4;
	v4 =	vshll.u32 v1, $0x1  }
0x9d: {  	v3 =	vshrl.u32 v3, v4  }
0x9e: {  	v3 =	vand.u32 $0x3, v3;
	vm0 =	vgt.s32 v2, $0x77  }
0x9f: {  	v1 =	vsel vm0, v3, v1  }
.Ltmp4:
0xa0: {  	[tilespmem:s9+$0x30] =	vst v1;
	(pc) =	sbr.rel .LBB2_8-.Ltmp4, $4  }
0xa1: {  	[hbm4b:s4+s2] =	stream.linear.scatter [tilespmem:s2], [sflag:$0x1], $0xEC00, $0x38;
	[tilespmem:$0xEC00] =	vst v63  }
0xa2: {  	_ =	swait.ge [sflag:s6], $0xEC00  }
0xa3: {  	[sflag:s6] =	ssyncset.done $0x0  }
0xa4: {  	[sflag:s6] =	ssyncadd.s32 $0xFFFF1400  }
.LBB2_5:
0xa5: {  	[tilespmem:s8], [sflag:$0x1] =	stream.linear.gather [hbm4b:s3+s8], $0xEA00, $0x38;
	[tilespmem:$0xEC00] =	vst v63  }
0xa6: {  	p1 =	por $0x0, $0x0;
	s9 =	simm.s32 $0x1  }
0xa7: {  	s9 =	simm.s32 @!p1 $0x0  }
0xa8: {  	_ =	swait.ge [sflag:s6], $0xEA00;
	s9 =	sshll.u32 s9, $0x6  }
0xa9: {  	[sflag:s6] =	ssyncset.done $0x0;
	s10 =	sadd.s32 $0x0, s9  }
0xaa: {  	[sflag:s6] =	ssyncadd.s32 $0xFFFF1600;
	s9 =	sor.u32 $0x100, s10  }
0xab: {  	v1 =	vld [tilespmem:s9+$0x0];
	_ =	sdelay $0x4  }
0xac: {  	v1 =	vmul.u32 $0x16C2, v1;
	_ =	sdelay $0x1  }
0xad: {  	v1 =	vadd.s32 $0xB60, v1  }
0xae: {  	v1 =	vshra.s32 v1, $0x11  }
0xaf: {  	s29 =	sand.u32 $0x40, s8;
	s11 =	sand.u32 $0xFE00, s8;
	vm0 =	veq.s32 v1, $0x6  }
0xb0: {  	s9 =	sor.u32 s29, s11;
	vm11 =	veq.s32 v1, $0x5;
	v2 =	vsel vm0, $0xB1, v0  }
0xb1: {  	v3 =	vld [tilespmem:s9+$0x0];
	vm1 =	veq.s32 v1, $0x4;
	v2 =	vsel vm11, $0x27, v2  }
0xb2: {  	vm12 =	veq.s32 v1, $0x3;
	v2 =	vsel vm1, $0x63, v2  }
0xb3: {  	v4 =	vld [tilespmem:s9+$0x80];
	vm13 =	veq.s32 v1, $0x2;
	v2 =	vsel vm12, $0x1E, v2  }
0xb4: {  	vm14 =	veq.s32 v1, $0x1;
	v2 =	vsel vm13, $0xE4, v2  }
0xb5: {  	vm15 =	veq.s32 v1, $0x0;
	v1 =	vsel vm14, $0x8D, v2  }
0xb6: {  	v2 =	vshll.u32 v3, $0x1;
	v1 =	vsel vm15, $0x72, v1  }
0xb7: {  	v1 =	vshrl.u32 v1, v2  }
0xb8: {  	vm4 =	vgt.s32 v4, $0x77;
	v1 =	vand.u32 $0x3, v1  }
0xb9: {  	s30 =	sadd.s32 $0x10, s10;
	v1 =	vsel vm4, v1, v3  }
0xba: {  	s11 =	sor.u32 $0x100, s30;
	[tilespmem:s9+$0x0] =	vst v1  }
0xbb: {  	v1 =	vld [tilespmem:s11+$0x0];
	_ =	sdelay $0x4  }
0xbc: {  	v1 =	vmul.u32 $0x16C2, v1;
	_ =	sdelay $0x1  }
0xbd: {  	v1 =	vadd.s32 $0xB60, v1  }
0xbe: {  	v1 =	vshra.s32 v1, $0x11  }
0xbf: {  	vm5 =	veq.s32 v1, $0x6  }
0xc0: {  	vm6 =	veq.s32 v1, $0x5;
	v2 =	vsel vm5, $0xB1, v0  }
0xc1: {  	v3 =	vld [tilespmem:s9+$0x10];
	vm7 =	veq.s32 v1, $0x4;
	v2 =	vsel vm6, $0x27, v2  }
0xc2: {  	vm8 =	veq.s32 v1, $0x3;
	v2 =	vsel vm7, $0x63, v2  }
0xc3: {  	v4 =	vld [tilespmem:s9+$0x90];
	vm9 =	veq.s32 v1, $0x2;
	v2 =	vsel vm8, $0x1E, v2  }
0xc4: {  	vm10 =	veq.s32 v1, $0x1;
	v2 =	vsel vm9, $0xE4, v2  }
0xc5: {  	vm11 =	veq.s32 v1, $0x0;
	v2 =	vsel vm10, $0x8D, v2  }
0xc6: {  	v1 =	vsel vm11, $0x72, v2;
	v2 =	vshll.u32 v3, $0x1  }
0xc7: {  	v1 =	vshrl.u32 v1, v2  }
0xc8: {  	vm12 =	vgt.s32 v4, $0x77;
	v1 =	vand.u32 $0x3, v1  }
0xc9: {  	s31 =	sadd.s32 $0x20, s10;
	v1 =	vsel vm12, v1, v3  }
0xca: {  	s11 =	sor.u32 $0x100, s31;
	[tilespmem:s9+$0x10] =	vst v1  }
0xcb: {  	v1 =	vld [tilespmem:s11+$0x0];
	_ =	sdelay $0x4  }
0xcc: {  	v1 =	vmul.u32 $0x16C2, v1;
	_ =	sdelay $0x1  }
0xcd: {  	v1 =	vadd.s32 $0xB60, v1  }
0xce: {  	v1 =	vshra.s32 v1, $0x11  }
0xcf: {  	vm13 =	veq.s32 v1, $0x6  }
0xd0: {  	vm14 =	veq.s32 v1, $0x5;
	v2 =	vsel vm13, $0xB1, v0  }
0xd1: {  	v3 =	vld [tilespmem:s9+$0x20];
	vm15 =	veq.s32 v1, $0x4;
	v2 =	vsel vm14, $0x27, v2  }
0xd2: {  	vm4 =	veq.s32 v1, $0x3;
	v2 =	vsel vm15, $0x63, v2  }
0xd3: {  	v4 =	vld [tilespmem:s9+$0xA0];
	vm5 =	veq.s32 v1, $0x2;
	v2 =	vsel vm4, $0x1E, v2  }
0xd4: {  	vm6 =	veq.s32 v1, $0x1;
	v2 =	vsel vm5, $0xE4, v2  }
0xd5: {  	vm7 =	veq.s32 v1, $0x0;
	v2 =	vsel vm6, $0x8D, v2  }
0xd6: {  	v1 =	vsel vm7, $0x72, v2;
	v2 =	vshll.u32 v3, $0x1  }
0xd7: {  	v1 =	vshrl.u32 v1, v2  }
0xd8: {  	vm8 =	vgt.s32 v4, $0x77;
	v1 =	vand.u32 $0x3, v1  }
0xd9: {  	s10 =	sadd.s32 $0x30, s10;
	v1 =	vsel vm8, v1, v3  }
0xda: {  	s10 =	sor.u32 $0x100, s10;
	[tilespmem:s9+$0x20] =	vst v1  }
0xdb: {  	v1 =	vld [tilespmem:s10+$0x0];
	_ =	sdelay $0x4  }
0xdc: {  	v1 =	vmul.u32 $0x16C2, v1;
	_ =	sdelay $0x1  }
0xdd: {  	v1 =	vadd.s32 $0xB60, v1  }
0xde: {  	v2 =	vshra.s32 v1, $0x11  }
0xdf: {  	vm9 =	veq.s32 v2, $0x6  }
0xe0: {  	vm10 =	veq.s32 v2, $0x5;
	v3 =	vsel vm9, $0xB1, v0  }
0xe1: {  	v1 =	vld [tilespmem:s9+$0x30];
	vm11 =	veq.s32 v2, $0x4;
	v3 =	vsel vm10, $0x27, v3  }
0xe2: {  	vm12 =	veq.s32 v2, $0x3;
	v3 =	vsel vm11, $0x63, v3  }
0xe3: {  	vm13 =	veq.s32 v2, $0x2;
	v3 =	vsel vm12, $0x1E, v3  }
0xe4: {  	vm14 =	veq.s32 v2, $0x1;
	vm15 =	veq.s32 v2, $0x0;
	v2 =	vld [tilespmem:s9+$0xB0];
	v3 =	vsel vm13, $0xE4, v3  }
0xe5: {  	v3 =	vsel vm14, $0x8D, v3  }
0xe6: {  	p1 =	por !p1, !p1;
	s11 =	simm.s32 $0x0;
	s10 =	simm.s32 $0x0;
	v4 =	vshll.u32 v1, $0x1;
	v3 =	vsel vm15, $0x72, v3  }
.LBB2_6:
0xe7: {  	s12 =	simm.s32 $0x1  }
0xe8: {  	s10 =	sadd.s32 $0x4, s10;
	v3 =	vshrl.u32 v3, v4;
	s12 =	simm.s32 @!p1 $0x0  }
0xe9: {  	vm0 =	vgt.s32 v2, $0x77;
	s8 =	sadd.s32 $0x100, s8;
	p2 =	slt.u32 s10, $0x3A4;
	v3 =	vand.u32 $0x3, v3;
	s12 =	sshll.u32 s12, $0x6  }
0xea: {  	v1 =	vsel vm0, v3, v1;
	s12 =	sadd.s32 s12, s8  }
0xeb: {  	s13 =	sor.u32 $0x100, s12;
	[tilespmem:s9+$0x30] =	vst v1  }
0xec: {  	v1 =	vld [tilespmem:s13+$0x0];
	_ =	sdelay $0x4  }
0xed: {  	v1 =	vmul.u32 $0x16C2, v1;
	_ =	sdelay $0x1  }
0xee: {  	v1 =	vadd.s32 $0xB60, v1  }
0xef: {  	s11 =	sadd.s32 $0x40, s11;
	v1 =	vshra.s32 v1, $0x11  }
0xf0: {  	s9 =	sand.u32 $0x40, s11;
	s13 =	sand.u32 $0xFE00, s8;
	vm0 =	veq.s32 v1, $0x6;
	vm1 =	veq.s32 v1, $0x4;
	vm2 =	veq.s32 v1, $0x3  }
0xf1: {  	s9 =	sor.u32 s9, s13;
	vm3 =	veq.s32 v1, $0x2;
	v2 =	vsel vm0, $0xB1, v0;
	vm0 =	veq.s32 v1, $0x5  }
0xf2: {  	vm4 =	veq.s32 v1, $0x0;
	v3 =	vld [tilespmem:s9+$0x0];
	v2 =	vsel vm0, $0x27, v2;
	vm0 =	veq.s32 v1, $0x1  }
0xf3: {  	v1 =	vsel vm1, $0x63, v2  }
0xf4: {  	v2 =	vld [tilespmem:s9+$0x80];
	v1 =	vsel vm2, $0x1E, v1  }
0xf5: {  	v1 =	vsel vm3, $0xE4, v1  }
0xf6: {  	v1 =	vsel vm0, $0x8D, v1  }
0xf7: {  	v1 =	vsel vm4, $0x72, v1;
	v4 =	vshll.u32 v3, $0x1  }
0xf8: {  	v1 =	vshrl.u32 v1, v4  }
0xf9: {  	v1 =	vand.u32 $0x3, v1;
	vm0 =	vgt.s32 v2, $0x77  }
0xfa: {  	s13 =	sadd.s32 $0x10, s12;
	v1 =	vsel vm0, v1, v3  }
0xfb: {  	s13 =	sor.u32 $0x100, s13;
	[tilespmem:s9+$0x0] =	vst v1  }
0xfc: {  	v1 =	vld [tilespmem:s13+$0x0];
	_ =	sdelay $0x4  }
0xfd: {  	v1 =	vmul.u32 $0x16C2, v1;
	_ =	sdelay $0x1  }
0xfe: {  	v1 =	vadd.s32 $0xB60, v1  }
0xff: {  	v1 =	vshra.s32 v1, $0x11  }
0x100: {  	vm0 =	veq.s32 v1, $0x6  }
0x101: {  	v2 =	vsel vm0, $0xB1, v0;
	vm0 =	veq.s32 v1, $0x5  }
0x102: {  	v3 =	vld [tilespmem:s9+$0x10];
	v2 =	vsel vm0, $0x27, v2;
	vm0 =	veq.s32 v1, $0x4  }
0x103: {  	v2 =	vsel vm0, $0x63, v2;
	vm0 =	veq.s32 v1, $0x3  }
0x104: {  	v4 =	vld [tilespmem:s9+$0x90];
	v2 =	vsel vm0, $0x1E, v2;
	vm0 =	veq.s32 v1, $0x2  }
0x105: {  	v2 =	vsel vm0, $0xE4, v2;
	vm0 =	veq.s32 v1, $0x1  }
0x106: {  	v2 =	vsel vm0, $0x8D, v2;
	vm0 =	veq.s32 v1, $0x0  }
0x107: {  	v1 =	vsel vm0, $0x72, v2;
	v2 =	vshll.u32 v3, $0x1  }
0x108: {  	v1 =	vshrl.u32 v1, v2  }
0x109: {  	v1 =	vand.u32 $0x3, v1;
	vm0 =	vgt.s32 v4, $0x77  }
0x10a: {  	s13 =	sadd.s32 $0x20, s12;
	v1 =	vsel vm0, v1, v3  }
0x10b: {  	s13 =	sor.u32 $0x100, s13;
	[tilespmem:s9+$0x10] =	vst v1  }
0x10c: {  	v1 =	vld [tilespmem:s13+$0x0];
	_ =	sdelay $0x4  }
0x10d: {  	v1 =	vmul.u32 $0x16C2, v1;
	_ =	sdelay $0x1  }
0x10e: {  	v1 =	vadd.s32 $0xB60, v1  }
0x10f: {  	v1 =	vshra.s32 v1, $0x11  }
0x110: {  	vm0 =	veq.s32 v1, $0x6  }
0x111: {  	v2 =	vsel vm0, $0xB1, v0;
	vm0 =	veq.s32 v1, $0x5  }
0x112: {  	v3 =	vld [tilespmem:s9+$0x20];
	v2 =	vsel vm0, $0x27, v2;
	vm0 =	veq.s32 v1, $0x4  }
0x113: {  	v2 =	vsel vm0, $0x63, v2;
	vm0 =	veq.s32 v1, $0x3  }
0x114: {  	v4 =	vld [tilespmem:s9+$0xA0];
	v2 =	vsel vm0, $0x1E, v2;
	vm0 =	veq.s32 v1, $0x2  }
0x115: {  	v2 =	vsel vm0, $0xE4, v2;
	vm0 =	veq.s32 v1, $0x1  }
0x116: {  	v2 =	vsel vm0, $0x8D, v2;
	vm0 =	veq.s32 v1, $0x0  }
0x117: {  	v1 =	vsel vm0, $0x72, v2;
	v2 =	vshll.u32 v3, $0x1  }
0x118: {  	v1 =	vshrl.u32 v1, v2  }
0x119: {  	v1 =	vand.u32 $0x3, v1;
	vm0 =	vgt.s32 v4, $0x77  }
0x11a: {  	s12 =	sadd.s32 $0x30, s12;
	v1 =	vsel vm0, v1, v3  }
0x11b: {  	s12 =	sor.u32 $0x100, s12;
	[tilespmem:s9+$0x20] =	vst v1  }
0x11c: {  	v1 =	vld [tilespmem:s12+$0x0];
	_ =	sdelay $0x4  }
0x11d: {  	v1 =	vmul.u32 $0x16C2, v1;
	_ =	sdelay $0x1  }
0x11e: {  	v1 =	vadd.s32 $0xB60, v1  }
0x11f: {  	v3 =	vshra.s32 v1, $0x11  }
0x120: {  	vm0 =	veq.s32 v3, $0x6  }
0x121: {  	v2 =	vsel vm0, $0xB1, v0;
	vm0 =	veq.s32 v3, $0x5  }
0x122: {  	v1 =	vld [tilespmem:s9+$0x30];
	v2 =	vsel vm0, $0x27, v2;
	vm0 =	veq.s32 v3, $0x4  }
.Ltmp5:
0x123: {  	v4 =	vsel vm0, $0x63, v2;
	vm0 =	veq.s32 v3, $0x3;
	(pc) =	sbr.rel @p2 .LBB2_6-.Ltmp5, $4  }
0x124: {  	v2 =	vld [tilespmem:s9+$0xB0];
	v4 =	vsel vm0, $0x1E, v4;
	vm0 =	veq.s32 v3, $0x2  }
0x125: {  	v4 =	vsel vm0, $0xE4, v4;
	vm0 =	veq.s32 v3, $0x1  }
0x126: {  	v4 =	vsel vm0, $0x8D, v4;
	vm0 =	veq.s32 v3, $0x0  }
0x127: {  	p1 =	por !p1, !p1;
	v3 =	vsel vm0, $0x72, v4;
	v4 =	vshll.u32 v1, $0x1  }
.Ltmp6:
0x128: {  	_ = 	snop;
	(pc) =	sbr.rel .LBB2_7-.Ltmp6, $1  }
0x129: {  	_ =	sdelay $0x3  }
.LBB2_9:
0x12a: {  	_ =	sfence.sel $0x180000  }
0x12b: {  	[bflag:$0x0] =	sbarrier.arrive $0xFFFF  }
0x12c: {  	p0 =	sne.s32 s0, $0x0;
	_ =	strace $0x90000047  }
0x12d: {  	s0 =	sadd.s32 @!p0 $0x100000, s1;
	[bflag:$0x2] =	sbarrier.arrive $0xFFFF  }
0x12e: {  	[sflag:s0] =	ssyncadd.tile.s32 @!p0 $0x1;
	_ =	shalt  }
.Lfunc_end2:
_tile_overlayer_lowered:
.L_overlay_start_2:
0x12f: {  	(tag) =	ssettag $0x2  }
0x130: {  	s0 =	rddreg [dreg:$0x0];
	s2 =	stileid.u32  }
0x131: {  	s1 =	rddreg [dreg:$0x1];
	p0 =	sne.s32 s2, $0x0  }
0x132: {  	s3 =	rddreg [dreg:$0x2];
	[bflag:$0x3] =	sbarrier.arrive $0xFFFF;
	s2 =	simm.s32 @!p0 $0x1C01  }
0x133: {  	[timem:s3], [sflag:s2] =	dma.local @!p0 [hbm:s0], s1  }
0x134: {  	s0 =	simm.s32 @!p0 $0x1  }
0x135: {  	_ =	swait.ge @!p0 [sflag:s0], s1  }
0x136: {  	s1 =	ssub.s32 @!p0 $0x0, s1;
	[sflag:s0] =	ssyncset.done @!p0 $0x0  }
0x137: {  	[sflag:s0] =	ssyncadd.s32 @!p0 s1  }
0x138: {  	[bflag:$0x3] =	sbarrier.arrive $0xFFFF  }
0x139: {  	_ =	shalt  }

</sc_bundles>
